<compile_context>
chip_gen: v7x
topology: tpu7x:2x2x1
jax: 0.10.2.dev20260603
libtpu: 0.0.44.dev20260713+nightly
codegen_flags: <defaults>
</compile_context>

<pallas_src>
import functools

import jax
import jax.numpy as jnp
from jax import lax
from jax.experimental import pallas as pl
from jax.experimental.pallas import tpu as pltpu
from jax.experimental.pallas import tpu_sc as plsc

N = 10000
E = 320000
DF = 128
DE = 4
H = 128
MSG = 128
OUT = 128

_NC = 2
_NS = 16
_NW = _NC * _NS
_SPAN = E // _NW
_CK = 80
_NCHUNK = _SPAN // _CK
_NBUF = 5

_BE = 3200
_R = 128
_NB = (N + _R - 1) // _R
_RS = 128
_NBS = (_NB * _R) // _RS
_CE = 512
_CHUNKS = E // _CE
_BN = 1000


def _sc_gather(nodes, senders):
    mesh = plsc.VectorSubcoreMesh(core_axis_name="c", subcore_axis_name="s")

    @functools.partial(
        pl.kernel,
        mesh=mesh,
        out_type=jax.ShapeDtypeStruct((E, DF), jnp.float32),
        scratch_types=(
            [pltpu.VMEM((_SPAN,), jnp.int32)]
            + [pltpu.VMEM((_CK, DF), jnp.float32) for _ in range(_NBUF)]
            + [pltpu.SemaphoreType.DMA for _ in range(2 * _NBUF)]
        ),
    )
    def gather_k(nodes_hbm, send_hbm, s_out, idx_v, *scr):
        bufs = scr[:_NBUF]
        gsems = scr[_NBUF:2 * _NBUF]
        ssems = scr[2 * _NBUF:]
        wid = lax.axis_index("s") * _NC + lax.axis_index("c")
        base = wid * _SPAN

        def run(idx_hbm, out_hbm):
            pltpu.sync_copy(idx_hbm.at[pl.ds(base, _SPAN)], idx_v)

            def g_copy(i, b):
                off = pl.multiple_of(i * _CK, 8)
                return pltpu.make_async_copy(
                    nodes_hbm.at[idx_v.at[pl.ds(off, _CK)]], bufs[b], gsems[b])

            def s_copy(i, b):
                off = pl.multiple_of(base + i * _CK, 8)
                return pltpu.make_async_copy(
                    bufs[b], out_hbm.at[pl.ds(off, _CK)], ssems[b])

            for b in range(_NBUF):
                g_copy(b, b).start()

            def outer(g, carry):
                for b in range(_NBUF):
                    i = g * _NBUF + b
                    g_copy(i, b).wait()
                    s_copy(i, b).start()
                for b in range(_NBUF):
                    i = g * _NBUF + b
                    s_copy(i, b).wait()
                    nxt = i + _NBUF

                    @pl.when(nxt < _NCHUNK)
                    def _():
                        g_copy(nxt, b).start()
                return carry

            lax.fori_loop(0, _NCHUNK // _NBUF, outer, 0)

        run(send_hbm, s_out)

    return gather_k(nodes, senders)


def _pre_body(n_ref, ws_ref, wr_ref, zs_ref, zr_ref):
    n = n_ref[...]
    zs_ref[...] = jnp.dot(n, ws_ref[...], preferred_element_type=jnp.float32)
    zr_ref[...] = jnp.dot(n, wr_ref[...], preferred_element_type=jnp.float32)


def _precompute_z(nodes_pad, ws, wr):
    npad = nodes_pad.shape[0]
    full = lambda i: (0, 0)
    blk = lambda i: (i, 0)
    return pl.pallas_call(
        _pre_body,
        grid=(npad // _R,),
        in_specs=[
            pl.BlockSpec((_R, DF), blk),
            pl.BlockSpec((DF, H), full),
            pl.BlockSpec((DF, H), full),
        ],
        out_specs=[
            pl.BlockSpec((_R, H), blk),
            pl.BlockSpec((_R, H), blk),
        ],
        out_shape=[
            jax.ShapeDtypeStruct((npad, H), jnp.float32),
            jax.ShapeDtypeStruct((npad, H), jnp.float32),
        ],
    )(nodes_pad, ws, wr)


def _edge_mlp_body(rlo_ref, rhi_ref, e_ref, xs_ref, rr_ref, we_ref, b1_ref,
                   w2_ref, b2_ref, wa_ref, ba_ref, wg_ref, bg_ref, zr_ref,
                   msgs_ref, gate_ref):
    bi = pl.program_id(0)
    c0 = rlo_ref[bi] // _R
    c1 = rhi_ref[bi] // _R + 1
    rr = rr_ref[...]
    lane = lax.broadcasted_iota(jnp.int32, (1, _R), 1)

    def body(c, acc):
        zc = zr_ref[pl.ds(c * _R, _R), :]
        onehot = jnp.where(rr - c * _R == lane, 1.0, 0.0)
        return acc + jnp.dot(onehot, zc, preferred_element_type=jnp.float32)

    xr = lax.fori_loop(c0, c1, body, jnp.zeros((_BE, H), jnp.float32))
    x = (xs_ref[...] + xr + b1_ref[...]
         + jnp.dot(e_ref[...], we_ref[...], preferred_element_type=jnp.float32))
    h = jnp.maximum(x, 0.0)
    msgs = jnp.dot(h, w2_ref[...], preferred_element_type=jnp.float32) + b2_ref[...]
    msgs_ref[...] = msgs
    g = jnp.maximum(
        jnp.dot(msgs, wa_ref[...], preferred_element_type=jnp.float32) + ba_ref[...],
        0.0)
    gate_ref[...] = (
        jnp.dot(g, wg_ref[...], preferred_element_type=jnp.float32) + bg_ref[...])


def _edge_mlp(rlo, rhi, edges, x_send, recv_col, zr_pad, W_msg1, b_msg1,
              W_msg2, b_msg2, W_aggr, b_aggr, W_gate, b_gate):
    we = W_msg1[:DE]
    full = lambda i, lo, hi: (0, 0)
    blk = lambda i, lo, hi: (i, 0)
    grid_spec = pltpu.PrefetchScalarGridSpec(
        num_scalar_prefetch=2,
        grid=(E // _BE,),
        in_specs=[
            pl.BlockSpec((_BE, DE), blk),
            pl.BlockSpec((_BE, DF), blk),
            pl.BlockSpec((_BE, 1), blk),
            pl.BlockSpec((DE, H), full),
            pl.BlockSpec((1, H), full),
            pl.BlockSpec((H, MSG), full),
            pl.BlockSpec((1, MSG), full),
            pl.BlockSpec((MSG, H), full),
            pl.BlockSpec((1, H), full),
            pl.BlockSpec((H, 1), full),
            pl.BlockSpec((1, 1), full),
            pl.BlockSpec((_NB * _R, H), full),
        ],
        out_specs=[
            pl.BlockSpec((_BE, MSG), blk),
            pl.BlockSpec((_BE, 1), blk),
        ],
    )
    return pl.pallas_call(
        _edge_mlp_body,
        grid_spec=grid_spec,
        out_shape=[
            jax.ShapeDtypeStruct((E, MSG), jnp.float32),
            jax.ShapeDtypeStruct((E, 1), jnp.float32),
        ],
    )(rlo, rhi, edges, x_send, recv_col, we, b_msg1.reshape(1, H),
      W_msg2, b_msg2.reshape(1, MSG), W_aggr, b_aggr.reshape(1, H),
      W_gate, b_gate.reshape(1, 1), zr_pad)


def _seg_body(starts_ref, ends_ref, gate_ref, recv_ref, msgs_hbm,
              out_ref, mb0, mb1, sem0, sem1):
    bi = pl.program_id(0)
    lo = bi * _RS
    start = starts_ref[bi]
    end = ends_ref[bi]
    c0 = start // _CE
    c1 = lax.select(end > start, (end + _CE - 1) // _CE, c0)
    riota = lo + lax.broadcasted_iota(jnp.int32, (_RS, 1), 0)
    neg = jnp.float32(-1e30)
    mbufs = (mb0, mb1)
    sems = (sem0, sem1)

    def dma(c, b):
        cc = jnp.minimum(c, _CHUNKS - 1)
        return pltpu.make_async_copy(
            msgs_hbm.at[pl.ds(cc * _CE, _CE)], mbufs[b], sems[b])

    dma(c0, 0).start()
    dma(c0 + 1, 1).start()

    def chunk_update(c, m, d, acc, b):
        dma(c, b).wait()
        cc = jnp.minimum(c, _CHUNKS - 1)
        g = gate_ref[pl.ds(cc, 1), :]
        rr = recv_ref[pl.ds(cc, 1), :]
        eq = (rr == riota) & (c < c1)
        onehot = jnp.where(eq, 1.0, 0.0)
        gm = jnp.where(eq, g, neg)
        m_new = jnp.maximum(m, jnp.max(gm, axis=1, keepdims=True))
        m_e = jnp.max(jnp.where(eq, m_new, neg), axis=0, keepdims=True)
        valid = (rr >= lo) & (rr < lo + _RS) & (c < c1)
        e_row = jnp.exp(jnp.where(valid, g - m_e, 0.0))
        wm = onehot * e_row
        scale = jnp.exp(m - m_new)
        d2 = d * scale + jnp.sum(wm, axis=1, keepdims=True)
        acc2 = acc * scale + jnp.dot(wm, mbufs[b][...],
                                     preferred_element_type=jnp.float32)
        dma(c + 2, b).start()
        return m_new, d2, acc2

    def pair(k, carry):
        m, d, acc = carry
        c = c0 + 2 * k
        m, d, acc = chunk_update(c, m, d, acc, 0)
        m, d, acc = chunk_update(c + 1, m, d, acc, 1)
        return m, d, acc

    kmax = (c1 - c0 + 1) // 2
    init = (jnp.full((_RS, 1), neg, jnp.float32),
            jnp.zeros((_RS, 1), jnp.float32),
            jnp.zeros((_RS, MSG), jnp.float32))
    m, d, acc = lax.fori_loop(0, kmax, pair, init)
    dma(c0 + 2 * kmax, 0).wait()
    dma(c0 + 2 * kmax + 1, 1).wait()
    out_ref[...] = acc / jnp.maximum(d, 1e-30)


def _seg_softmax_aggr(starts, ends, gate2d, recv2d, msgs):
    full = lambda i, s, e: (0, 0)
    grid_spec = pltpu.PrefetchScalarGridSpec(
        num_scalar_prefetch=2,
        grid=(_NBS,),
        in_specs=[
            pl.BlockSpec((_CHUNKS, _CE), full),
            pl.BlockSpec((_CHUNKS, _CE), full),
            pl.BlockSpec(memory_space=pl.ANY),
        ],
        out_specs=pl.BlockSpec((_RS, MSG), lambda i, s, e: (i, 0)),
        scratch_shapes=[
            pltpu.VMEM((_CE, MSG), jnp.float32),
            pltpu.VMEM((_CE, MSG), jnp.float32),
            pltpu.SemaphoreType.DMA,
            pltpu.SemaphoreType.DMA,
        ],
    )
    return pl.pallas_call(
        _seg_body,
        grid_spec=grid_spec,
        out_shape=jax.ShapeDtypeStruct((_NBS * _RS, MSG), jnp.float32),
    )(starts, ends, gate2d, recv2d, msgs)


def _upd_body(n_ref, a_ref, w1a_ref, w1b_ref, b1_ref, w2_ref, b2_ref, out_ref):
    x = jnp.dot(n_ref[...], w1a_ref[...], preferred_element_type=jnp.float32)
    x = x + jnp.dot(a_ref[...], w1b_ref[...], preferred_element_type=jnp.float32)
    h = jnp.maximum(x + b1_ref[...], 0.0)
    out_ref[...] = (
        jnp.dot(h, w2_ref[...], preferred_element_type=jnp.float32) + b2_ref[...])


def _node_update(nodes, aggr, W_upd1, b_upd1, W_upd2, b_upd2):
    w1a = W_upd1[:DF]
    w1b = W_upd1[DF:]
    full = lambda i: (0, 0)
    blk = lambda i: (i, 0)
    return pl.pallas_call(
        _upd_body,
        grid=(N // _BN,),
        in_specs=[
            pl.BlockSpec((_BN, DF), blk),
            pl.BlockSpec((_BN, MSG), blk),
            pl.BlockSpec((DF, H), full),
            pl.BlockSpec((MSG, H), full),
            pl.BlockSpec((1, H), full),
            pl.BlockSpec((H, OUT), full),
            pl.BlockSpec((1, OUT), full),
        ],
        out_specs=pl.BlockSpec((_BN, OUT), blk),
        out_shape=jax.ShapeDtypeStruct((N, OUT), jnp.float32),
    )(nodes, aggr, w1a, w1b, b_upd1.reshape(1, H), W_upd2,
      b_upd2.reshape(1, OUT))


def kernel(nodes, edges, senders, receivers, W_msg1, b_msg1, W_msg2, b_msg2,
           W_aggr, b_aggr, W_gate, b_gate, W_upd1, b_upd1, W_upd2, b_upd2):
    npad = _NB * _R
    nodes_pad = jnp.pad(nodes, ((0, npad - N), (0, 0)))
    zs_pad, zr_pad = _precompute_z(nodes_pad, W_msg1[DE:DE + DF],
                                   W_msg1[DE + DF:])
    x_send = _sc_gather(zs_pad, senders)
    recv2 = receivers.reshape(E // _BE, _BE)
    rlo = recv2[:, 0]
    rhi = recv2[:, -1]
    msgs, gate = _edge_mlp(rlo, rhi, edges, x_send, receivers.reshape(E, 1),
                           zr_pad, W_msg1, b_msg1, W_msg2, b_msg2,
                           W_aggr, b_aggr, W_gate, b_gate)
    gate2d = gate.reshape(_CHUNKS, _CE)
    recv2d = receivers.reshape(_CHUNKS, _CE)
    bnd = jnp.arange(0, (_NBS + 1) * _RS, _RS, dtype=jnp.int32)
    ss = jnp.searchsorted(receivers, bnd).astype(jnp.int32)
    aggr = _seg_softmax_aggr(ss[:-1], ss[1:], gate2d, recv2d, msgs)[:N]
    return _node_update(nodes, aggr, W_upd1, b_upd1, W_upd2, b_upd2)

# --- scband reference (transcript-rebuilt; emitter-appended) ---
"""Pipeline reference for scband-gnnlayer-8452495639038 (READ-ONLY COPY).

The authoritative reference and input builder live on the scoring server;
editing this copy changes nothing except your own understanding.
"""

import jax, jax.numpy as jnp
import numpy as np

N = 10000
E = 320000
DF = 128
DE = 4
H = 128
MSG = 128
OUT = 128


def _glorot(key, shape):
    fan_in, fan_out = shape[0], shape[1]
    lim = jnp.sqrt(6.0 / (fan_in + fan_out))
    return jax.random.uniform(key, shape, jnp.float32, -lim, lim)


def setup_inputs(seed: int = 0) -> dict:
    key = jax.random.key(seed)
    ks = jax.random.split(key, 20)
    nodes = jax.random.normal(ks[0], (N, DF), jnp.float32)
    edges = jax.random.normal(ks[1], (E, DE), jnp.float32)
    senders = jax.random.randint(ks[2], (E,), 0, N, jnp.int32)
    receivers = jnp.sort(jax.random.randint(ks[3], (E,), 0, N, jnp.int32))
    d_msg_in = DE + 2 * DF
    d_upd_in = DF + MSG
    params = {
        'W_msg1': _glorot(ks[4], (d_msg_in, H)), 'b_msg1': jnp.zeros((H,), jnp.float32),
        'W_msg2': _glorot(ks[5], (H, MSG)), 'b_msg2': jnp.zeros((MSG,), jnp.float32),
        'W_aggr': _glorot(ks[6], (MSG, H)), 'b_aggr': jnp.zeros((H,), jnp.float32),
        'W_gate': _glorot(ks[7], (H, 1)), 'b_gate': jnp.zeros((1,), jnp.float32),
        'W_upd1': _glorot(ks[8], (d_upd_in, H)), 'b_upd1': jnp.zeros((H,), jnp.float32),
        'W_upd2': _glorot(ks[9], (H, OUT)), 'b_upd2': jnp.zeros((OUT,), jnp.float32),
    }
    inp = {'nodes': nodes, 'edges': edges, 'senders': senders, 'receivers': receivers}
    inp.update(params)
    return inp


def reference(nodes, edges, senders, receivers, W_msg1, b_msg1, W_msg2, b_msg2,
              W_aggr, b_aggr, W_gate, b_gate, W_upd1, b_upd1, W_upd2, b_upd2):
    def safe_get(arr, idx):
        valid = idx >= 0
        safe_idx = jnp.where(valid, idx, 0)
        r = jnp.take(arr, safe_idx, axis=0)
        return jnp.where(valid[:, None], r, 0.0)

    # message
    send_feats = safe_get(nodes, senders)
    recv_feats = safe_get(nodes, receivers)
    feats = jnp.concatenate([edges, send_feats, recv_feats], axis=-1)
    h = jax.nn.relu(feats @ W_msg1 + b_msg1)
    msgs = h @ W_msg2 + b_msg2

    # attention-based aggregation (jraph.segment_softmax equivalent)
    g = jax.nn.relu(msgs @ W_aggr + b_aggr)
    gate = (g @ W_gate + b_gate).squeeze(-1)
    seg_max = jax.ops.segment_max(gate, receivers, num_segments=N)
    seg_max = jnp.where(jnp.isfinite(seg_max), seg_max, 0.0)
    expv = jnp.exp(gate - jnp.take(seg_max, receivers, axis=0))
    denom = jax.ops.segment_sum(expv, receivers, num_segments=N)
    attn = expv / jnp.take(denom, receivers, axis=0)
    aggr_msg = jax.ops.segment_sum(attn[:, None] * msgs, receivers, num_segments=N)

    # node update
    u = jnp.concatenate([nodes, aggr_msg], axis=-1)
    h2 = jax.nn.relu(u @ W_upd1 + b_upd1)
    new_nodes = h2 @ W_upd2 + b_upd2
    return new_nodes

if __name__ == "__main__":
    import jax
    _d = setup_inputs()
    print(jax.jit(kernel)(*tuple(_d.values())))

</pallas_src>

<mosaic_0001>
#map = affine_map<(d0, d1) -> (0, 0)>
#map1 = affine_map<(d0, d1) -> (0)>
module attributes {stable_mosaic.version = 14 : i64} {
  func.func @gather_k(%arg0: i32, %arg1: i32, %arg2: memref<10112x128xf32, #tpu.memory_space<hbm>>, %arg3: memref<320000xi32, #tpu.memory_space<hbm>>, %arg4: memref<320000x128xf32, #tpu.memory_space<hbm>>, %arg5: memref<10000xi32, #tpu.memory_space<vmem>>, %arg6: memref<80x128xf32, #tpu.memory_space<vmem>>, %arg7: memref<80x128xf32, #tpu.memory_space<vmem>>, %arg8: memref<80x128xf32, #tpu.memory_space<vmem>>, %arg9: memref<80x128xf32, #tpu.memory_space<vmem>>, %arg10: memref<80x128xf32, #tpu.memory_space<vmem>>, %arg11: memref<!tpu.dma_semaphore, #tpu.memory_space<semaphore_mem>>, %arg12: memref<!tpu.dma_semaphore, #tpu.memory_space<semaphore_mem>>, %arg13: memref<!tpu.dma_semaphore, #tpu.memory_space<semaphore_mem>>, %arg14: memref<!tpu.dma_semaphore, #tpu.memory_space<semaphore_mem>>, %arg15: memref<!tpu.dma_semaphore, #tpu.memory_space<semaphore_mem>>, %arg16: memref<!tpu.dma_semaphore, #tpu.memory_space<semaphore_mem>>, %arg17: memref<!tpu.dma_semaphore, #tpu.memory_space<semaphore_mem>>, %arg18: memref<!tpu.dma_semaphore, #tpu.memory_space<semaphore_mem>>, %arg19: memref<!tpu.dma_semaphore, #tpu.memory_space<semaphore_mem>>, %arg20: memref<!tpu.dma_semaphore, #tpu.memory_space<semaphore_mem>>) attributes {dimension_semantics = [#tpu.dimension_semantics<core_parallel>, #tpu.dimension_semantics<subcore_parallel>], iteration_bounds = array<i64: 2, 16>, scalar_prefetch = 0 : i64, scratch_operands = 16 : i64, tpu.core_type = #tpu.core_type<sc_vector_subcore>, window_params = [{transform_indices = #map}, {transform_indices = #map1}, {transform_indices = #map}]} {
    %mul3A = arith.constant 2 : i32
    %mul3A_0 = arith.muli %arg1, %mul3A : i32
    %add3A = arith.addi %mul3A_0, %arg0 : i32
    %mul3A_1 = arith.constant 10000 : i32
    %mul3A_2 = arith.muli %add3A, %mul3A_1 : i32
    "tpu.region"() ({
      %run_scoped3A = tpu.sem_alloc : memref<!tpu.dma_semaphore, #tpu.memory_space<semaphore_mem>>
      %dma_start3A_36 = tpu.memref_slice %arg3[%mul3A_2] : memref<320000xi32, #tpu.memory_space<hbm>> -> memref<10000xi32, #tpu.memory_space<hbm>>
      %dma_start3A_37 = tpu.memref_slice %arg3[%mul3A_2] : memref<320000xi32, #tpu.memory_space<hbm>> -> memref<10000xi32, #tpu.memory_space<hbm>>
      tpu.enqueue_dma source(%dma_start3A_37 : memref<10000xi32, #tpu.memory_space<hbm>>) target(%arg5 : memref<10000xi32, #tpu.memory_space<vmem>>) target_semaphore(%run_scoped3A : memref<!tpu.dma_semaphore, #tpu.memory_space<semaphore_mem>>)
      %dma_wait3A = tpu.memref_slice %arg3[%mul3A_2] : memref<320000xi32, #tpu.memory_space<hbm>> -> memref<10000xi32, #tpu.memory_space<hbm>>
      %dma_wait3A_38 = tpu.memref_slice %arg3[%mul3A_2] : memref<320000xi32, #tpu.memory_space<hbm>> -> memref<10000xi32, #tpu.memory_space<hbm>>
      tpu.wait_dma2 semaphore(%run_scoped3A : memref<!tpu.dma_semaphore, #tpu.memory_space<semaphore_mem>>) src(%dma_wait3A_38 : memref<10000xi32, #tpu.memory_space<hbm>>) dst(%arg5 : memref<10000xi32, #tpu.memory_space<vmem>>)
      tpu.yield
    }) : () -> ()
    %multiple_of3A = arith.constant 0 : i32
    %multiple_of3A_3 = tpu.assume_multiple %multiple_of3A, 8 : i32
    %dma_start3A = tpu.memref_slice %arg5[%multiple_of3A_3] : memref<10000xi32, #tpu.memory_space<vmem>> -> memref<80xi32, #tpu.memory_space<vmem>>
    %dma_start3A_4 = arith.constant 0 : i32
    %dma_start3A_5 = arith.constant 0 : i32
    %dma_start3A_6 = tpu.memref_slice %arg2[%dma_start3A_4, %dma_start3A_5] : memref<10112x128xf32, #tpu.memory_space<hbm>> -> memref<10112x128xf32, #tpu.memory_space<hbm>>
    tpu.enqueue_indirect_dma source(%dma_start3A_6 : memref<10112x128xf32, #tpu.memory_space<hbm>>) target(%arg6 : memref<80x128xf32, #tpu.memory_space<vmem>>) offsets(%dma_start3A : memref<80xi32, #tpu.memory_space<vmem>>) semaphore(%arg11 : memref<!tpu.dma_semaphore, #tpu.memory_space<semaphore_mem>>)
    %multiple_of3A_7 = arith.constant 80 : i32
    %multiple_of3A_8 = tpu.assume_multiple %multiple_of3A_7, 8 : i32
    %dma_start3A_9 = tpu.memref_slice %arg5[%multiple_of3A_8] : memref<10000xi32, #tpu.memory_space<vmem>> -> memref<80xi32, #tpu.memory_space<vmem>>
    %dma_start3A_10 = arith.constant 0 : i32
    %dma_start3A_11 = arith.constant 0 : i32
    %dma_start3A_12 = tpu.memref_slice %arg2[%dma_start3A_10, %dma_start3A_11] : memref<10112x128xf32, #tpu.memory_space<hbm>> -> memref<10112x128xf32, #tpu.memory_space<hbm>>
    tpu.enqueue_indirect_dma source(%dma_start3A_12 : memref<10112x128xf32, #tpu.memory_space<hbm>>) target(%arg7 : memref<80x128xf32, #tpu.memory_space<vmem>>) offsets(%dma_start3A_9 : memref<80xi32, #tpu.memory_space<vmem>>) semaphore(%arg12 : memref<!tpu.dma_semaphore, #tpu.memory_space<semaphore_mem>>)
    %multiple_of3A_13 = arith.constant 160 : i32
    %multiple_of3A_14 = tpu.assume_multiple %multiple_of3A_13, 8 : i32
    %dma_start3A_15 = tpu.memref_slice %arg5[%multiple_of3A_14] : memref<10000xi32, #tpu.memory_space<vmem>> -> memref<80xi32, #tpu.memory_space<vmem>>
    %dma_start3A_16 = arith.constant 0 : i32
    %dma_start3A_17 = arith.constant 0 : i32
    %dma_start3A_18 = tpu.memref_slice %arg2[%dma_start3A_16, %dma_start3A_17] : memref<10112x128xf32, #tpu.memory_space<hbm>> -> memref<10112x128xf32, #tpu.memory_space<hbm>>
    tpu.enqueue_indirect_dma source(%dma_start3A_18 : memref<10112x128xf32, #tpu.memory_space<hbm>>) target(%arg8 : memref<80x128xf32, #tpu.memory_space<vmem>>) offsets(%dma_start3A_15 : memref<80xi32, #tpu.memory_space<vmem>>) semaphore(%arg13 : memref<!tpu.dma_semaphore, #tpu.memory_space<semaphore_mem>>)
    %multiple_of3A_19 = arith.constant 240 : i32
    %multiple_of3A_20 = tpu.assume_multiple %multiple_of3A_19, 8 : i32
    %dma_start3A_21 = tpu.memref_slice %arg5[%multiple_of3A_20] : memref<10000xi32, #tpu.memory_space<vmem>> -> memref<80xi32, #tpu.memory_space<vmem>>
    %dma_start3A_22 = arith.constant 0 : i32
    %dma_start3A_23 = arith.constant 0 : i32
    %dma_start3A_24 = tpu.memref_slice %arg2[%dma_start3A_22, %dma_start3A_23] : memref<10112x128xf32, #tpu.memory_space<hbm>> -> memref<10112x128xf32, #tpu.memory_space<hbm>>
    tpu.enqueue_indirect_dma source(%dma_start3A_24 : memref<10112x128xf32, #tpu.memory_space<hbm>>) target(%arg9 : memref<80x128xf32, #tpu.memory_space<vmem>>) offsets(%dma_start3A_21 : memref<80xi32, #tpu.memory_space<vmem>>) semaphore(%arg14 : memref<!tpu.dma_semaphore, #tpu.memory_space<semaphore_mem>>)
    %multiple_of3A_25 = arith.constant 320 : i32
    %multiple_of3A_26 = tpu.assume_multiple %multiple_of3A_25, 8 : i32
    %dma_start3A_27 = tpu.memref_slice %arg5[%multiple_of3A_26] : memref<10000xi32, #tpu.memory_space<vmem>> -> memref<80xi32, #tpu.memory_space<vmem>>
    %dma_start3A_28 = arith.constant 0 : i32
    %dma_start3A_29 = arith.constant 0 : i32
    %dma_start3A_30 = tpu.memref_slice %arg2[%dma_start3A_28, %dma_start3A_29] : memref<10112x128xf32, #tpu.memory_space<hbm>> -> memref<10112x128xf32, #tpu.memory_space<hbm>>
    tpu.enqueue_indirect_dma source(%dma_start3A_30 : memref<10112x128xf32, #tpu.memory_space<hbm>>) target(%arg10 : memref<80x128xf32, #tpu.memory_space<vmem>>) offsets(%dma_start3A_27 : memref<80xi32, #tpu.memory_space<vmem>>) semaphore(%arg15 : memref<!tpu.dma_semaphore, #tpu.memory_space<semaphore_mem>>)
    %scan3A = arith.constant 0 : i32
    %scan3A_31 = arith.constant 0 : i32
    %scan3A_32 = arith.constant 25 : i32
    %scan3A_33 = arith.addi %scan3A_31, %scan3A_32 : i32
    %scan3A_34 = arith.constant 1 : i32
    scf.for %scan3A_36 = %scan3A_31 to %scan3A_33 step %scan3A_34  : i32 {
      %mul3A_37 = arith.constant 5 : i32
      %mul3A_38 = arith.muli %scan3A_36, %mul3A_37 : i32
      %add3A_39 = arith.constant 0 : i32
      %add3A_40 = arith.addi %mul3A_38, %add3A_39 : i32
      %mul3A_41 = arith.constant 80 : i32
      %mul3A_42 = arith.muli %add3A_40, %mul3A_41 : i32
      %multiple_of3A_43 = tpu.assume_multiple %mul3A_42, 8 : i32
      %dma_wait3A = tpu.memref_slice %arg5[%multiple_of3A_43] : memref<10000xi32, #tpu.memory_space<vmem>> -> memref<80xi32, #tpu.memory_space<vmem>>
      %dma_wait3A_44 = arith.constant 0 : i32
      %dma_wait3A_45 = arith.constant 0 : i32
      %dma_wait3A_46 = tpu.memref_slice %arg2[%dma_wait3A_44, %dma_wait3A_45] : memref<10112x128xf32, #tpu.memory_space<hbm>> -> memref<10112x128xf32, #tpu.memory_space<hbm>>
      tpu.wait_indirect_dma semaphore(%arg11 : memref<!tpu.dma_semaphore, #tpu.memory_space<semaphore_mem>>) src(%dma_wait3A_46 : memref<10112x128xf32, #tpu.memory_space<hbm>>) dst(%arg6 : memref<80x128xf32, #tpu.memory_space<vmem>>)
      %mul3A_47 = arith.constant 80 : i32
      %mul3A_48 = arith.muli %add3A_40, %mul3A_47 : i32
      %add3A_49 = arith.addi %mul3A_2, %mul3A_48 : i32
      %multiple_of3A_50 = tpu.assume_multiple %add3A_49, 8 : i32
      %dma_start3A_51 = arith.constant 0 : i32
      %dma_start3A_52 = tpu.memref_slice %arg4[%multiple_of3A_50, %dma_start3A_51] : memref<320000x128xf32, #tpu.memory_space<hbm>> -> memref<80x128xf32, #tpu.memory_space<hbm>>
      %dma_start3A_53 = arith.constant 0 : i32
      %dma_start3A_54 = tpu.memref_slice %arg4[%multiple_of3A_50, %dma_start3A_53] : memref<320000x128xf32, #tpu.memory_space<hbm>> -> memref<80x128xf32, #tpu.memory_space<hbm>>
      tpu.enqueue_dma source(%arg6 : memref<80x128xf32, #tpu.memory_space<vmem>>) target(%dma_start3A_54 : memref<80x128xf32, #tpu.memory_space<hbm>>) target_semaphore(%arg16 : memref<!tpu.dma_semaphore, #tpu.memory_space<semaphore_mem>>)
      %mul3A_55 = arith.constant 5 : i32
      %mul3A_56 = arith.muli %scan3A_36, %mul3A_55 : i32
      %add3A_57 = arith.constant 1 : i32
      %add3A_58 = arith.addi %mul3A_56, %add3A_57 : i32
      %mul3A_59 = arith.constant 80 : i32
      %mul3A_60 = arith.muli %add3A_58, %mul3A_59 : i32
      %multiple_of3A_61 = tpu.assume_multiple %mul3A_60, 8 : i32
      %dma_wait3A_62 = tpu.memref_slice %arg5[%multiple_of3A_61] : memref<10000xi32, #tpu.memory_space<vmem>> -> memref<80xi32, #tpu.memory_space<vmem>>
      %dma_wait3A_63 = arith.constant 0 : i32
      %dma_wait3A_64 = arith.constant 0 : i32
      %dma_wait3A_65 = tpu.memref_slice %arg2[%dma_wait3A_63, %dma_wait3A_64] : memref<10112x128xf32, #tpu.memory_space<hbm>> -> memref<10112x128xf32, #tpu.memory_space<hbm>>
      tpu.wait_indirect_dma semaphore(%arg12 : memref<!tpu.dma_semaphore, #tpu.memory_space<semaphore_mem>>) src(%dma_wait3A_65 : memref<10112x128xf32, #tpu.memory_space<hbm>>) dst(%arg7 : memref<80x128xf32, #tpu.memory_space<vmem>>)
      %mul3A_66 = arith.constant 80 : i32
      %mul3A_67 = arith.muli %add3A_58, %mul3A_66 : i32
      %add3A_68 = arith.addi %mul3A_2, %mul3A_67 : i32
      %multiple_of3A_69 = tpu.assume_multiple %add3A_68, 8 : i32
      %dma_start3A_70 = arith.constant 0 : i32
      %dma_start3A_71 = tpu.memref_slice %arg4[%multiple_of3A_69, %dma_start3A_70] : memref<320000x128xf32, #tpu.memory_space<hbm>> -> memref<80x128xf32, #tpu.memory_space<hbm>>
      %dma_start3A_72 = arith.constant 0 : i32
      %dma_start3A_73 = tpu.memref_slice %arg4[%multiple_of3A_69, %dma_start3A_72] : memref<320000x128xf32, #tpu.memory_space<hbm>> -> memref<80x128xf32, #tpu.memory_space<hbm>>
      tpu.enqueue_dma source(%arg7 : memref<80x128xf32, #tpu.memory_space<vmem>>) target(%dma_start3A_73 : memref<80x128xf32, #tpu.memory_space<hbm>>) target_semaphore(%arg17 : memref<!tpu.dma_semaphore, #tpu.memory_space<semaphore_mem>>)
      %mul3A_74 = arith.constant 5 : i32
      %mul3A_75 = arith.muli %scan3A_36, %mul3A_74 : i32
      %add3A_76 = arith.constant 2 : i32
      %add3A_77 = arith.addi %mul3A_75, %add3A_76 : i32
      %mul3A_78 = arith.constant 80 : i32
      %mul3A_79 = arith.muli %add3A_77, %mul3A_78 : i32
      %multiple_of3A_80 = tpu.assume_multiple %mul3A_79, 8 : i32
      %dma_wait3A_81 = tpu.memref_slice %arg5[%multiple_of3A_80] : memref<10000xi32, #tpu.memory_space<vmem>> -> memref<80xi32, #tpu.memory_space<vmem>>
      %dma_wait3A_82 = arith.constant 0 : i32
      %dma_wait3A_83 = arith.constant 0 : i32
      %dma_wait3A_84 = tpu.memref_slice %arg2[%dma_wait3A_82, %dma_wait3A_83] : memref<10112x128xf32, #tpu.memory_space<hbm>> -> memref<10112x128xf32, #tpu.memory_space<hbm>>
      tpu.wait_indirect_dma semaphore(%arg13 : memref<!tpu.dma_semaphore, #tpu.memory_space<semaphore_mem>>) src(%dma_wait3A_84 : memref<10112x128xf32, #tpu.memory_space<hbm>>) dst(%arg8 : memref<80x128xf32, #tpu.memory_space<vmem>>)
      %mul3A_85 = arith.constant 80 : i32
      %mul3A_86 = arith.muli %add3A_77, %mul3A_85 : i32
      %add3A_87 = arith.addi %mul3A_2, %mul3A_86 : i32
      %multiple_of3A_88 = tpu.assume_multiple %add3A_87, 8 : i32
      %dma_start3A_89 = arith.constant 0 : i32
      %dma_start3A_90 = tpu.memref_slice %arg4[%multiple_of3A_88, %dma_start3A_89] : memref<320000x128xf32, #tpu.memory_space<hbm>> -> memref<80x128xf32, #tpu.memory_space<hbm>>
      %dma_start3A_91 = arith.constant 0 : i32
      %dma_start3A_92 = tpu.memref_slice %arg4[%multiple_of3A_88, %dma_start3A_91] : memref<320000x128xf32, #tpu.memory_space<hbm>> -> memref<80x128xf32, #tpu.memory_space<hbm>>
      tpu.enqueue_dma source(%arg8 : memref<80x128xf32, #tpu.memory_space<vmem>>) target(%dma_start3A_92 : memref<80x128xf32, #tpu.memory_space<hbm>>) target_semaphore(%arg18 : memref<!tpu.dma_semaphore, #tpu.memory_space<semaphore_mem>>)
      %mul3A_93 = arith.constant 5 : i32
      %mul3A_94 = arith.muli %scan3A_36, %mul3A_93 : i32
      %add3A_95 = arith.constant 3 : i32
      %add3A_96 = arith.addi %mul3A_94, %add3A_95 : i32
      %mul3A_97 = arith.constant 80 : i32
      %mul3A_98 = arith.muli %add3A_96, %mul3A_97 : i32
      %multiple_of3A_99 = tpu.assume_multiple %mul3A_98, 8 : i32
      %dma_wait3A_100 = tpu.memref_slice %arg5[%multiple_of3A_99] : memref<10000xi32, #tpu.memory_space<vmem>> -> memref<80xi32, #tpu.memory_space<vmem>>
      %dma_wait3A_101 = arith.constant 0 : i32
      %dma_wait3A_102 = arith.constant 0 : i32
      %dma_wait3A_103 = tpu.memref_slice %arg2[%dma_wait3A_101, %dma_wait3A_102] : memref<10112x128xf32, #tpu.memory_space<hbm>> -> memref<10112x128xf32, #tpu.memory_space<hbm>>
      tpu.wait_indirect_dma semaphore(%arg14 : memref<!tpu.dma_semaphore, #tpu.memory_space<semaphore_mem>>) src(%dma_wait3A_103 : memref<10112x128xf32, #tpu.memory_space<hbm>>) dst(%arg9 : memref<80x128xf32, #tpu.memory_space<vmem>>)
      %mul3A_104 = arith.constant 80 : i32
      %mul3A_105 = arith.muli %add3A_96, %mul3A_104 : i32
      %add3A_106 = arith.addi %mul3A_2, %mul3A_105 : i32
      %multiple_of3A_107 = tpu.assume_multiple %add3A_106, 8 : i32
      %dma_start3A_108 = arith.constant 0 : i32
      %dma_start3A_109 = tpu.memref_slice %arg4[%multiple_of3A_107, %dma_start3A_108] : memref<320000x128xf32, #tpu.memory_space<hbm>> -> memref<80x128xf32, #tpu.memory_space<hbm>>
      %dma_start3A_110 = arith.constant 0 : i32
      %dma_start3A_111 = tpu.memref_slice %arg4[%multiple_of3A_107, %dma_start3A_110] : memref<320000x128xf32, #tpu.memory_space<hbm>> -> memref<80x128xf32, #tpu.memory_space<hbm>>
      tpu.enqueue_dma source(%arg9 : memref<80x128xf32, #tpu.memory_space<vmem>>) target(%dma_start3A_111 : memref<80x128xf32, #tpu.memory_space<hbm>>) target_semaphore(%arg19 : memref<!tpu.dma_semaphore, #tpu.memory_space<semaphore_mem>>)
      %mul3A_112 = arith.constant 5 : i32
      %mul3A_113 = arith.muli %scan3A_36, %mul3A_112 : i32
      %add3A_114 = arith.constant 4 : i32
      %add3A_115 = arith.addi %mul3A_113, %add3A_114 : i32
      %mul3A_116 = arith.constant 80 : i32
      %mul3A_117 = arith.muli %add3A_115, %mul3A_116 : i32
      %multiple_of3A_118 = tpu.assume_multiple %mul3A_117, 8 : i32
      %dma_wait3A_119 = tpu.memref_slice %arg5[%multiple_of3A_118] : memref<10000xi32, #tpu.memory_space<vmem>> -> memref<80xi32, #tpu.memory_space<vmem>>
      %dma_wait3A_120 = arith.constant 0 : i32
      %dma_wait3A_121 = arith.constant 0 : i32
      %dma_wait3A_122 = tpu.memref_slice %arg2[%dma_wait3A_120, %dma_wait3A_121] : memref<10112x128xf32, #tpu.memory_space<hbm>> -> memref<10112x128xf32, #tpu.memory_space<hbm>>
      tpu.wait_indirect_dma semaphore(%arg15 : memref<!tpu.dma_semaphore, #tpu.memory_space<semaphore_mem>>) src(%dma_wait3A_122 : memref<10112x128xf32, #tpu.memory_space<hbm>>) dst(%arg10 : memref<80x128xf32, #tpu.memory_space<vmem>>)
      %mul3A_123 = arith.constant 80 : i32
      %mul3A_124 = arith.muli %add3A_115, %mul3A_123 : i32
      %add3A_125 = arith.addi %mul3A_2, %mul3A_124 : i32
      %multiple_of3A_126 = tpu.assume_multiple %add3A_125, 8 : i32
      %dma_start3A_127 = arith.constant 0 : i32
      %dma_start3A_128 = tpu.memref_slice %arg4[%multiple_of3A_126, %dma_start3A_127] : memref<320000x128xf32, #tpu.memory_space<hbm>> -> memref<80x128xf32, #tpu.memory_space<hbm>>
      %dma_start3A_129 = arith.constant 0 : i32
      %dma_start3A_130 = tpu.memref_slice %arg4[%multiple_of3A_126, %dma_start3A_129] : memref<320000x128xf32, #tpu.memory_space<hbm>> -> memref<80x128xf32, #tpu.memory_space<hbm>>
      tpu.enqueue_dma source(%arg10 : memref<80x128xf32, #tpu.memory_space<vmem>>) target(%dma_start3A_130 : memref<80x128xf32, #tpu.memory_space<hbm>>) target_semaphore(%arg20 : memref<!tpu.dma_semaphore, #tpu.memory_space<semaphore_mem>>)
      %mul3A_131 = arith.constant 5 : i32
      %mul3A_132 = arith.muli %scan3A_36, %mul3A_131 : i32
      %add3A_133 = arith.constant 0 : i32
      %add3A_134 = arith.addi %mul3A_132, %add3A_133 : i32
      %mul3A_135 = arith.constant 80 : i32
      %mul3A_136 = arith.muli %add3A_134, %mul3A_135 : i32
      %add3A_137 = arith.addi %mul3A_2, %mul3A_136 : i32
      %multiple_of3A_138 = tpu.assume_multiple %add3A_137, 8 : i32
      %dma_wait3A_139 = arith.constant 0 : i32
      %dma_wait3A_140 = tpu.memref_slice %arg4[%multiple_of3A_138, %dma_wait3A_139] : memref<320000x128xf32, #tpu.memory_space<hbm>> -> memref<80x128xf32, #tpu.memory_space<hbm>>
      %dma_wait3A_141 = arith.constant 0 : i32
      %dma_wait3A_142 = tpu.memref_slice %arg4[%multiple_of3A_138, %dma_wait3A_141] : memref<320000x128xf32, #tpu.memory_space<hbm>> -> memref<80x128xf32, #tpu.memory_space<hbm>>
      tpu.wait_dma2 semaphore(%arg16 : memref<!tpu.dma_semaphore, #tpu.memory_space<semaphore_mem>>) src(%arg6 : memref<80x128xf32, #tpu.memory_space<vmem>>) dst(%dma_wait3A_142 : memref<80x128xf32, #tpu.memory_space<hbm>>)
      %add3A_143 = arith.constant 5 : i32
      %add3A_144 = arith.addi %add3A_134, %add3A_143 : i32
      %lt3A = arith.constant 125 : i32
      %lt3A_145 = arith.cmpi slt, %add3A_144, %lt3A : i32
      %convert_element_type3A = arith.extui %lt3A_145 : i1 to i32
      %cond3A = arith.constant 0 : i32
      %cond3A_146 = arith.cmpi ne, %convert_element_type3A, %cond3A : i32
      scf.if %cond3A_146 {
        %mul3A_223 = arith.constant 80 : i32
        %mul3A_224 = arith.muli %add3A_144, %mul3A_223 : i32
        %multiple_of3A_225 = tpu.assume_multiple %mul3A_224, 8 : i32
        %dma_start3A_226 = tpu.memref_slice %arg5[%multiple_of3A_225] : memref<10000xi32, #tpu.memory_space<vmem>> -> memref<80xi32, #tpu.memory_space<vmem>>
        %dma_start3A_227 = arith.constant 0 : i32
        %dma_start3A_228 = arith.constant 0 : i32
        %dma_start3A_229 = tpu.memref_slice %arg2[%dma_start3A_227, %dma_start3A_228] : memref<10112x128xf32, #tpu.memory_space<hbm>> -> memref<10112x128xf32, #tpu.memory_space<hbm>>
        tpu.enqueue_indirect_dma source(%dma_start3A_229 : memref<10112x128xf32, #tpu.memory_space<hbm>>) target(%arg6 : memref<80x128xf32, #tpu.memory_space<vmem>>) offsets(%dma_start3A_226 : memref<80xi32, #tpu.memory_space<vmem>>) semaphore(%arg11 : memref<!tpu.dma_semaphore, #tpu.memory_space<semaphore_mem>>)
      } else {
      }
      %mul3A_147 = arith.constant 5 : i32
      %mul3A_148 = arith.muli %scan3A_36, %mul3A_147 : i32
      %add3A_149 = arith.constant 1 : i32
      %add3A_150 = arith.addi %mul3A_148, %add3A_149 : i32
      %mul3A_151 = arith.constant 80 : i32
      %mul3A_152 = arith.muli %add3A_150, %mul3A_151 : i32
      %add3A_153 = arith.addi %mul3A_2, %mul3A_152 : i32
      %multiple_of3A_154 = tpu.assume_multiple %add3A_153, 8 : i32
      %dma_wait3A_155 = arith.constant 0 : i32
      %dma_wait3A_156 = tpu.memref_slice %arg4[%multiple_of3A_154, %dma_wait3A_155] : memref<320000x128xf32, #tpu.memory_space<hbm>> -> memref<80x128xf32, #tpu.memory_space<hbm>>
      %dma_wait3A_157 = arith.constant 0 : i32
      %dma_wait3A_158 = tpu.memref_slice %arg4[%multiple_of3A_154, %dma_wait3A_157] : memref<320000x128xf32, #tpu.memory_space<hbm>> -> memref<80x128xf32, #tpu.memory_space<hbm>>
      tpu.wait_dma2 semaphore(%arg17 : memref<!tpu.dma_semaphore, #tpu.memory_space<semaphore_mem>>) src(%arg7 : memref<80x128xf32, #tpu.memory_space<vmem>>) dst(%dma_wait3A_158 : memref<80x128xf32, #tpu.memory_space<hbm>>)
      %add3A_159 = arith.constant 5 : i32
      %add3A_160 = arith.addi %add3A_150, %add3A_159 : i32
      %lt3A_161 = arith.constant 125 : i32
      %lt3A_162 = arith.cmpi slt, %add3A_160, %lt3A_161 : i32
      %convert_element_type3A_163 = arith.extui %lt3A_162 : i1 to i32
      %cond3A_164 = arith.constant 0 : i32
      %cond3A_165 = arith.cmpi ne, %convert_element_type3A_163, %cond3A_164 : i32
      scf.if %cond3A_165 {
        %mul3A_223 = arith.constant 80 : i32
        %mul3A_224 = arith.muli %add3A_160, %mul3A_223 : i32
        %multiple_of3A_225 = tpu.assume_multiple %mul3A_224, 8 : i32
        %dma_start3A_226 = tpu.memref_slice %arg5[%multiple_of3A_225] : memref<10000xi32, #tpu.memory_space<vmem>> -> memref<80xi32, #tpu.memory_space<vmem>>
        %dma_start3A_227 = arith.constant 0 : i32
        %dma_start3A_228 = arith.constant 0 : i32
        %dma_start3A_229 = tpu.memref_slice %arg2[%dma_start3A_227, %dma_start3A_228] : memref<10112x128xf32, #tpu.memory_space<hbm>> -> memref<10112x128xf32, #tpu.memory_space<hbm>>
        tpu.enqueue_indirect_dma source(%dma_start3A_229 : memref<10112x128xf32, #tpu.memory_space<hbm>>) target(%arg7 : memref<80x128xf32, #tpu.memory_space<vmem>>) offsets(%dma_start3A_226 : memref<80xi32, #tpu.memory_space<vmem>>) semaphore(%arg12 : memref<!tpu.dma_semaphore, #tpu.memory_space<semaphore_mem>>)
      } else {
      }
      %mul3A_166 = arith.constant 5 : i32
      %mul3A_167 = arith.muli %scan3A_36, %mul3A_166 : i32
      %add3A_168 = arith.constant 2 : i32
      %add3A_169 = arith.addi %mul3A_167, %add3A_168 : i32
      %mul3A_170 = arith.constant 80 : i32
      %mul3A_171 = arith.muli %add3A_169, %mul3A_170 : i32
      %add3A_172 = arith.addi %mul3A_2, %mul3A_171 : i32
      %multiple_of3A_173 = tpu.assume_multiple %add3A_172, 8 : i32
      %dma_wait3A_174 = arith.constant 0 : i32
      %dma_wait3A_175 = tpu.memref_slice %arg4[%multiple_of3A_173, %dma_wait3A_174] : memref<320000x128xf32, #tpu.memory_space<hbm>> -> memref<80x128xf32, #tpu.memory_space<hbm>>
      %dma_wait3A_176 = arith.constant 0 : i32
      %dma_wait3A_177 = tpu.memref_slice %arg4[%multiple_of3A_173, %dma_wait3A_176] : memref<320000x128xf32, #tpu.memory_space<hbm>> -> memref<80x128xf32, #tpu.memory_space<hbm>>
      tpu.wait_dma2 semaphore(%arg18 : memref<!tpu.dma_semaphore, #tpu.memory_space<semaphore_mem>>) src(%arg8 : memref<80x128xf32, #tpu.memory_space<vmem>>) dst(%dma_wait3A_177 : memref<80x128xf32, #tpu.memory_space<hbm>>)
      %add3A_178 = arith.constant 5 : i32
      %add3A_179 = arith.addi %add3A_169, %add3A_178 : i32
      %lt3A_180 = arith.constant 125 : i32
      %lt3A_181 = arith.cmpi slt, %add3A_179, %lt3A_180 : i32
      %convert_element_type3A_182 = arith.extui %lt3A_181 : i1 to i32
      %cond3A_183 = arith.constant 0 : i32
      %cond3A_184 = arith.cmpi ne, %convert_element_type3A_182, %cond3A_183 : i32
      scf.if %cond3A_184 {
        %mul3A_223 = arith.constant 80 : i32
        %mul3A_224 = arith.muli %add3A_179, %mul3A_223 : i32
        %multiple_of3A_225 = tpu.assume_multiple %mul3A_224, 8 : i32
        %dma_start3A_226 = tpu.memref_slice %arg5[%multiple_of3A_225] : memref<10000xi32, #tpu.memory_space<vmem>> -> memref<80xi32, #tpu.memory_space<vmem>>
        %dma_start3A_227 = arith.constant 0 : i32
        %dma_start3A_228 = arith.constant 0 : i32
        %dma_start3A_229 = tpu.memref_slice %arg2[%dma_start3A_227, %dma_start3A_228] : memref<10112x128xf32, #tpu.memory_space<hbm>> -> memref<10112x128xf32, #tpu.memory_space<hbm>>
        tpu.enqueue_indirect_dma source(%dma_start3A_229 : memref<10112x128xf32, #tpu.memory_space<hbm>>) target(%arg8 : memref<80x128xf32, #tpu.memory_space<vmem>>) offsets(%dma_start3A_226 : memref<80xi32, #tpu.memory_space<vmem>>) semaphore(%arg13 : memref<!tpu.dma_semaphore, #tpu.memory_space<semaphore_mem>>)
      } else {
      }
      %mul3A_185 = arith.constant 5 : i32
      %mul3A_186 = arith.muli %scan3A_36, %mul3A_185 : i32
      %add3A_187 = arith.constant 3 : i32
      %add3A_188 = arith.addi %mul3A_186, %add3A_187 : i32
      %mul3A_189 = arith.constant 80 : i32
      %mul3A_190 = arith.muli %add3A_188, %mul3A_189 : i32
      %add3A_191 = arith.addi %mul3A_2, %mul3A_190 : i32
      %multiple_of3A_192 = tpu.assume_multiple %add3A_191, 8 : i32
      %dma_wait3A_193 = arith.constant 0 : i32
      %dma_wait3A_194 = tpu.memref_slice %arg4[%multiple_of3A_192, %dma_wait3A_193] : memref<320000x128xf32, #tpu.memory_space<hbm>> -> memref<80x128xf32, #tpu.memory_space<hbm>>
      %dma_wait3A_195 = arith.constant 0 : i32
      %dma_wait3A_196 = tpu.memref_slice %arg4[%multiple_of3A_192, %dma_wait3A_195] : memref<320000x128xf32, #tpu.memory_space<hbm>> -> memref<80x128xf32, #tpu.memory_space<hbm>>
      tpu.wait_dma2 semaphore(%arg19 : memref<!tpu.dma_semaphore, #tpu.memory_space<semaphore_mem>>) src(%arg9 : memref<80x128xf32, #tpu.memory_space<vmem>>) dst(%dma_wait3A_196 : memref<80x128xf32, #tpu.memory_space<hbm>>)
      %add3A_197 = arith.constant 5 : i32
      %add3A_198 = arith.addi %add3A_188, %add3A_197 : i32
      %lt3A_199 = arith.constant 125 : i32
      %lt3A_200 = arith.cmpi slt, %add3A_198, %lt3A_199 : i32
      %convert_element_type3A_201 = arith.extui %lt3A_200 : i1 to i32
      %cond3A_202 = arith.constant 0 : i32
      %cond3A_203 = arith.cmpi ne, %convert_element_type3A_201, %cond3A_202 : i32
      scf.if %cond3A_203 {
        %mul3A_223 = arith.constant 80 : i32
        %mul3A_224 = arith.muli %add3A_198, %mul3A_223 : i32
        %multiple_of3A_225 = tpu.assume_multiple %mul3A_224, 8 : i32
        %dma_start3A_226 = tpu.memref_slice %arg5[%multiple_of3A_225] : memref<10000xi32, #tpu.memory_space<vmem>> -> memref<80xi32, #tpu.memory_space<vmem>>
        %dma_start3A_227 = arith.constant 0 : i32
        %dma_start3A_228 = arith.constant 0 : i32
        %dma_start3A_229 = tpu.memref_slice %arg2[%dma_start3A_227, %dma_start3A_228] : memref<10112x128xf32, #tpu.memory_space<hbm>> -> memref<10112x128xf32, #tpu.memory_space<hbm>>
        tpu.enqueue_indirect_dma source(%dma_start3A_229 : memref<10112x128xf32, #tpu.memory_space<hbm>>) target(%arg9 : memref<80x128xf32, #tpu.memory_space<vmem>>) offsets(%dma_start3A_226 : memref<80xi32, #tpu.memory_space<vmem>>) semaphore(%arg14 : memref<!tpu.dma_semaphore, #tpu.memory_space<semaphore_mem>>)
      } else {
      }
      %mul3A_204 = arith.constant 5 : i32
      %mul3A_205 = arith.muli %scan3A_36, %mul3A_204 : i32
      %add3A_206 = arith.constant 4 : i32
      %add3A_207 = arith.addi %mul3A_205, %add3A_206 : i32
      %mul3A_208 = arith.constant 80 : i32
      %mul3A_209 = arith.muli %add3A_207, %mul3A_208 : i32
      %add3A_210 = arith.addi %mul3A_2, %mul3A_209 : i32
      %multiple_of3A_211 = tpu.assume_multiple %add3A_210, 8 : i32
      %dma_wait3A_212 = arith.constant 0 : i32
      %dma_wait3A_213 = tpu.memref_slice %arg4[%multiple_of3A_211, %dma_wait3A_212] : memref<320000x128xf32, #tpu.memory_space<hbm>> -> memref<80x128xf32, #tpu.memory_space<hbm>>
      %dma_wait3A_214 = arith.constant 0 : i32
      %dma_wait3A_215 = tpu.memref_slice %arg4[%multiple_of3A_211, %dma_wait3A_214] : memref<320000x128xf32, #tpu.memory_space<hbm>> -> memref<80x128xf32, #tpu.memory_space<hbm>>
      tpu.wait_dma2 semaphore(%arg20 : memref<!tpu.dma_semaphore, #tpu.memory_space<semaphore_mem>>) src(%arg10 : memref<80x128xf32, #tpu.memory_space<vmem>>) dst(%dma_wait3A_215 : memref<80x128xf32, #tpu.memory_space<hbm>>)
      %add3A_216 = arith.constant 5 : i32
      %add3A_217 = arith.addi %add3A_207, %add3A_216 : i32
      %lt3A_218 = arith.constant 125 : i32
      %lt3A_219 = arith.cmpi slt, %add3A_217, %lt3A_218 : i32
      %convert_element_type3A_220 = arith.extui %lt3A_219 : i1 to i32
      %cond3A_221 = arith.constant 0 : i32
      %cond3A_222 = arith.cmpi ne, %convert_element_type3A_220, %cond3A_221 : i32
      scf.if %cond3A_222 {
        %mul3A_223 = arith.constant 80 : i32
        %mul3A_224 = arith.muli %add3A_217, %mul3A_223 : i32
        %multiple_of3A_225 = tpu.assume_multiple %mul3A_224, 8 : i32
        %dma_start3A_226 = tpu.memref_slice %arg5[%multiple_of3A_225] : memref<10000xi32, #tpu.memory_space<vmem>> -> memref<80xi32, #tpu.memory_space<vmem>>
        %dma_start3A_227 = arith.constant 0 : i32
        %dma_start3A_228 = arith.constant 0 : i32
        %dma_start3A_229 = tpu.memref_slice %arg2[%dma_start3A_227, %dma_start3A_228] : memref<10112x128xf32, #tpu.memory_space<hbm>> -> memref<10112x128xf32, #tpu.memory_space<hbm>>
        tpu.enqueue_indirect_dma source(%dma_start3A_229 : memref<10112x128xf32, #tpu.memory_space<hbm>>) target(%arg10 : memref<80x128xf32, #tpu.memory_space<vmem>>) offsets(%dma_start3A_226 : memref<80xi32, #tpu.memory_space<vmem>>) semaphore(%arg15 : memref<!tpu.dma_semaphore, #tpu.memory_space<semaphore_mem>>)
      } else {
      }
    }
    %scan3A_35 = arith.constant 25 : i32
    return
  }
}

module attributes {stable_mosaic.version = 14 : i64} {
  func.func @_pre_body(%arg0: i32, %arg1: memref<128x128xf32, #tpu.memory_space<vmem>>, %arg2: memref<128x128xf32, #tpu.memory_space<vmem>>, %arg3: memref<128x128xf32, #tpu.memory_space<vmem>>, %arg4: memref<128x128xf32, #tpu.memory_space<vmem>>, %arg5: memref<128x128xf32, #tpu.memory_space<vmem>>) attributes {dimension_semantics = [#tpu.dimension_semantics<arbitrary>], iteration_bounds = array<i64: 79>, scalar_prefetch = 0 : i64, scratch_operands = 0 : i64, tpu.core_type = #tpu.core_type<tc>, window_params = [{transform_indices = @transform_0, window_bounds = array<i64: 128, 128>}, {pipeline_mode = #tpu.pipeline_mode<synchronous>, transform_indices = @transform_1, window_bounds = array<i64: 128, 128>}, {pipeline_mode = #tpu.pipeline_mode<synchronous>, transform_indices = @transform_2, window_bounds = array<i64: 128, 128>}, {transform_indices = @transform_3, window_bounds = array<i64: 128, 128>}, {transform_indices = @transform_4, window_bounds = array<i64: 128, 128>}]} {
    %get3A = arith.constant 0 : index
    %get3A_0 = arith.constant 0 : index
    %get3A_1 = vector.load %arg1[%get3A, %get3A_0] : memref<128x128xf32, #tpu.memory_space<vmem>>, vector<128x128xf32>
    %get3A_2 = arith.constant 0 : index
    %get3A_3 = arith.constant 0 : index
    %get3A_4 = vector.load %arg2[%get3A_2, %get3A_3] : memref<128x128xf32, #tpu.memory_space<vmem>>, vector<128x128xf32>
    %dot_general3A = arith.constant dense<0.000000e+00> : vector<128x128xf32>
    %dot_general3A_5 = tpu.matmul %get3A_1, %get3A_4, %dot_general3A {dimension_numbers = #tpu.dot_dimension_numbers<[1], [0], [0], [1], [0, 0, 1, 1], [], []>, transpose_lhs_hint = false} : vector<128x128xf32>, vector<128x128xf32>, vector<128x128xf32> -> vector<128x128xf32>
    %swap3A = arith.constant 0 : index
    %swap3A_6 = arith.constant 0 : index
    %swap3A_7 = vector.load %arg4[%swap3A, %swap3A_6] : memref<128x128xf32, #tpu.memory_space<vmem>>, vector<128x128xf32>
    tpu.vector_store %arg4[%swap3A, %swap3A_6], %dot_general3A_5 {strides = array<i32>} : memref<128x128xf32, #tpu.memory_space<vmem>>, vector<128x128xf32>,
    %get3A_8 = arith.constant 0 : index
    %get3A_9 = arith.constant 0 : index
    %get3A_10 = vector.load %arg3[%get3A_8, %get3A_9] : memref<128x128xf32, #tpu.memory_space<vmem>>, vector<128x128xf32>
    %dot_general3A_11 = arith.constant dense<0.000000e+00> : vector<128x128xf32>
    %dot_general3A_12 = tpu.matmul %get3A_1, %get3A_10, %dot_general3A_11 {dimension_numbers = #tpu.dot_dimension_numbers<[1], [0], [0], [1], [0, 0, 1, 1], [], []>, transpose_lhs_hint = false} : vector<128x128xf32>, vector<128x128xf32>, vector<128x128xf32> -> vector<128x128xf32>
    %swap3A_13 = arith.constant 0 : index
    %swap3A_14 = arith.constant 0 : index
    %swap3A_15 = vector.load %arg5[%swap3A_13, %swap3A_14] : memref<128x128xf32, #tpu.memory_space<vmem>>, vector<128x128xf32>
    tpu.vector_store %arg5[%swap3A_13, %swap3A_14], %dot_general3A_12 {strides = array<i32>} : memref<128x128xf32, #tpu.memory_space<vmem>>, vector<128x128xf32>,
    return
  }
  func.func @transform_0(%arg0: i32) -> (i32, i32) {
    %c0_i32 = arith.constant 0 : i32
    %c0_i32_0 = arith.constant 0 : i32
    return %arg0, %c0_i32 : i32, i32
  }
  func.func @transform_1(%arg0: i32) -> (i32, i32) {
    %c0_i32 = arith.constant 0 : i32
    %c0_i32_0 = arith.constant 0 : i32
    %c0_i32_1 = arith.constant 0 : i32
    return %c0_i32, %c0_i32_0 : i32, i32
  }
  func.func @transform_2(%arg0: i32) -> (i32, i32) {
    %c0_i32 = arith.constant 0 : i32
    %c0_i32_0 = arith.constant 0 : i32
    %c0_i32_1 = arith.constant 0 : i32
    return %c0_i32, %c0_i32_0 : i32, i32
  }
  func.func @transform_3(%arg0: i32) -> (i32, i32) {
    %c0_i32 = arith.constant 0 : i32
    %c0_i32_0 = arith.constant 0 : i32
    return %arg0, %c0_i32 : i32, i32
  }
  func.func @transform_4(%arg0: i32) -> (i32, i32) {
    %c0_i32 = arith.constant 0 : i32
    %c0_i32_0 = arith.constant 0 : i32
    return %arg0, %c0_i32 : i32, i32
  }
}

module attributes {stable_mosaic.version = 14 : i64} {
  func.func @_edge_mlp_body(%arg0: i32, %arg1: memref<100xi32, #tpu.memory_space<smem>>, %arg2: memref<100xi32, #tpu.memory_space<smem>>, %arg3: memref<3200x4xf32, #tpu.memory_space<vmem>>, %arg4: memref<3200x128xf32, #tpu.memory_space<vmem>>, %arg5: memref<3200x1xi32, #tpu.memory_space<vmem>>, %arg6: memref<4x128xf32, #tpu.memory_space<vmem>>, %arg7: memref<1x128xf32, #tpu.memory_space<vmem>>, %arg8: memref<128x128xf32, #tpu.memory_space<vmem>>, %arg9: memref<1x128xf32, #tpu.memory_space<vmem>>, %arg10: memref<128x128xf32, #tpu.memory_space<vmem>>, %arg11: memref<1x128xf32, #tpu.memory_space<vmem>>, %arg12: memref<128x1xf32, #tpu.memory_space<vmem>>, %arg13: memref<1x1xf32, #tpu.memory_space<vmem>>, %arg14: memref<10112x128xf32, #tpu.memory_space<vmem>>, %arg15: memref<3200x128xf32, #tpu.memory_space<vmem>>, %arg16: memref<3200x1xf32, #tpu.memory_space<vmem>>) attributes {dimension_semantics = [#tpu.dimension_semantics<arbitrary>], iteration_bounds = array<i64: 100>, scalar_prefetch = 2 : i64, scratch_operands = 0 : i64, tpu.core_type = #tpu.core_type<tc>, window_params = [{transform_indices = @transform_0, window_bounds = array<i64: 3200, 4>}, {transform_indices = @transform_1, window_bounds = array<i64: 3200, 128>}, {transform_indices = @transform_2, window_bounds = array<i64: 3200, 1>}, {pipeline_mode = #tpu.pipeline_mode<synchronous>, transform_indices = @transform_3, window_bounds = array<i64: 4, 128>}, {pipeline_mode = #tpu.pipeline_mode<synchronous>, transform_indices = @transform_4, window_bounds = array<i64: 1, 128>}, {pipeline_mode = #tpu.pipeline_mode<synchronous>, transform_indices = @transform_5, window_bounds = array<i64: 128, 128>}, {pipeline_mode = #tpu.pipeline_mode<synchronous>, transform_indices = @transform_6, window_bounds = array<i64: 1, 128>}, {pipeline_mode = #tpu.pipeline_mode<synchronous>, transform_indices = @transform_7, window_bounds = array<i64: 128, 128>}, {pipeline_mode = #tpu.pipeline_mode<synchronous>, transform_indices = @transform_8, window_bounds = array<i64: 1, 128>}, {pipeline_mode = #tpu.pipeline_mode<synchronous>, transform_indices = @transform_9, window_bounds = array<i64: 128, 1>}, {pipeline_mode = #tpu.pipeline_mode<synchronous>, transform_indices = @transform_10, window_bounds = array<i64: 1, 1>}, {pipeline_mode = #tpu.pipeline_mode<synchronous>, transform_indices = @transform_11, window_bounds = array<i64: 10112, 128>}, {transform_indices = @transform_12, window_bounds = array<i64: 3200, 128>}, {transform_indices = @transform_13, window_bounds = array<i64: 3200, 1>}]} {
    %get3A = arith.index_cast %arg0 : i32 to index
    %get3A_0 = memref.load %arg1[%get3A] : memref<100xi32, #tpu.memory_space<smem>>
    %jit3A = arith.constant 128 : i32
    %div3A = arith.divsi %get3A_0, %jit3A : i32
    %sign3A = arith.constant 0 : i32
    %sign3A_1 = arith.cmpi sgt, %get3A_0, %sign3A : i32
    %sign3A_2 = arith.extui %sign3A_1 : i1 to i32
    %sign3A_3 = arith.constant 0 : i32
    %sign3A_4 = arith.cmpi slt, %get3A_0, %sign3A_3 : i32
    %sign3A_5 = arith.extui %sign3A_4 : i1 to i32
    %sign3A_6 = arith.subi %sign3A_2, %sign3A_5 : i32
    %sign3A_7 = arith.constant 0 : i32
    %sign3A_8 = arith.cmpi sgt, %jit3A, %sign3A_7 : i32
    %sign3A_9 = arith.extui %sign3A_8 : i1 to i32
    %sign3A_10 = arith.constant 0 : i32
    %sign3A_11 = arith.cmpi slt, %jit3A, %sign3A_10 : i32
    %sign3A_12 = arith.extui %sign3A_11 : i1 to i32
    %sign3A_13 = arith.subi %sign3A_9, %sign3A_12 : i32
    %ne3A = arith.cmpi ne, %sign3A_6, %sign3A_13 : i32
    %rem3A = arith.remsi %get3A_0, %jit3A : i32
    %ne3A_14 = arith.constant 0 : i32
    %ne3A_15 = arith.cmpi ne, %rem3A, %ne3A_14 : i32
    %and3A = arith.andi %ne3A, %ne3A_15 : i1
    %sub3A = arith.constant 1 : i32
    %sub3A_16 = arith.subi %div3A, %sub3A : i32
    %select_n3A = arith.select %and3A, %sub3A_16, %div3A : i32
    %get3A_17 = arith.index_cast %arg0 : i32 to index
    %get3A_18 = memref.load %arg2[%get3A_17] : memref<100xi32, #tpu.memory_space<smem>>
    %jit3A_19 = arith.constant 128 : i32
    %div3A_20 = arith.divsi %get3A_18, %jit3A_19 : i32
    %sign3A_21 = arith.constant 0 : i32
    %sign3A_22 = arith.cmpi sgt, %get3A_18, %sign3A_21 : i32
    %sign3A_23 = arith.extui %sign3A_22 : i1 to i32
    %sign3A_24 = arith.constant 0 : i32
    %sign3A_25 = arith.cmpi slt, %get3A_18, %sign3A_24 : i32
    %sign3A_26 = arith.extui %sign3A_25 : i1 to i32
    %sign3A_27 = arith.subi %sign3A_23, %sign3A_26 : i32
    %sign3A_28 = arith.constant 0 : i32
    %sign3A_29 = arith.cmpi sgt, %jit3A_19, %sign3A_28 : i32
    %sign3A_30 = arith.extui %sign3A_29 : i1 to i32
    %sign3A_31 = arith.constant 0 : i32
    %sign3A_32 = arith.cmpi slt, %jit3A_19, %sign3A_31 : i32
    %sign3A_33 = arith.extui %sign3A_32 : i1 to i32
    %sign3A_34 = arith.subi %sign3A_30, %sign3A_33 : i32
    %ne3A_35 = arith.cmpi ne, %sign3A_27, %sign3A_34 : i32
    %rem3A_36 = arith.remsi %get3A_18, %jit3A_19 : i32
    %ne3A_37 = arith.constant 0 : i32
    %ne3A_38 = arith.cmpi ne, %rem3A_36, %ne3A_37 : i32
    %and3A_39 = arith.andi %ne3A_35, %ne3A_38 : i1
    %sub3A_40 = arith.constant 1 : i32
    %sub3A_41 = arith.subi %div3A_20, %sub3A_40 : i32
    %select_n3A_42 = arith.select %and3A_39, %sub3A_41, %div3A_20 : i32
    %add3A = arith.constant 1 : i32
    %add3A_43 = arith.addi %select_n3A_42, %add3A : i32
    %get3A_44 = arith.constant 0 : index
    %get3A_45 = arith.constant 0 : index
    %get3A_46 = vector.load %arg5[%get3A_44, %get3A_45] : memref<3200x1xi32, #tpu.memory_space<vmem>>, vector<3200x1xi32>
    %iota3A = tpu.iota {dimensions = array<i32: 1>} : vector<1x128xi32>
    %broadcast_in_dim3A = arith.constant 0.000000e+00 : f32
    %broadcast_in_dim3A_47 = vector.broadcast %broadcast_in_dim3A : f32 to vector<3200x128xf32>
    %while3A = arith.subi %add3A_43, %select_n3A : i32
    %while3A_48 = arith.addi %select_n3A, %while3A : i32
    %while3A_49 = arith.constant 1 : i32
    %while3A_50 = arith.divsi %while3A, %while3A_49 : i32
    %while3A_51 = arith.muli %while3A_50, %while3A_49 : i32
    %while3A_52 = arith.addi %select_n3A, %while3A_51 : i32
    %while3A_53 = arith.constant 1 : i32
    %while3A_54 = scf.for %while3A_114 = %select_n3A to %while3A_52 step %while3A_53 iter_args(%while3A_115 = %broadcast_in_dim3A_47) -> (vector<3200x128xf32>)  : i32 {
      %mul3A = arith.constant 128 : i32
      %mul3A_116 = arith.muli %while3A_114, %mul3A : i32
      %get3A_117 = arith.index_cast %mul3A_116 : i32 to index
      %get3A_118 = arith.constant 0 : index
      %get3A_119 = vector.load %arg14[%get3A_117, %get3A_118] : memref<10112x128xf32, #tpu.memory_space<vmem>>, vector<128x128xf32>
      %mul3A_120 = arith.constant 128 : i32
      %mul3A_121 = arith.muli %while3A_114, %mul3A_120 : i32
      %sub3A_122 = vector.broadcast %mul3A_121 : i32 to vector<3200x1xi32>
      %sub3A_123 = arith.subi %get3A_46, %sub3A_122 : vector<3200x1xi32>
      %eq3A = vector.broadcast %sub3A_123 : vector<3200x1xi32> to vector<3200x128xi32>
      %eq3A_124 = vector.broadcast %iota3A : vector<1x128xi32> to vector<3200x128xi32>
      %eq3A_125 = arith.cmpi eq, %eq3A, %eq3A_124 : vector<3200x128xi32>
      %jit3A_126 = arith.constant 1.000000e+00 : f32
      %jit3A_127 = arith.constant 0.000000e+00 : f32
      %broadcast_in_dim3A_128 = vector.broadcast %jit3A_126 : f32 to vector<3200x128xf32>
      %broadcast_in_dim3A_129 = vector.broadcast %jit3A_127 : f32 to vector<3200x128xf32>
      %select_n3A_130 = arith.select %eq3A_125, %broadcast_in_dim3A_128, %broadcast_in_dim3A_129 : vector<3200x128xi1>, vector<3200x128xf32>
      %dot_general3A_131 = arith.constant dense<0.000000e+00> : vector<3200x128xf32>
      %dot_general3A_132 = tpu.matmul %select_n3A_130, %get3A_119, %dot_general3A_131 {dimension_numbers = #tpu.dot_dimension_numbers<[1], [0], [0], [1], [0, 0, 1, 1], [], []>, transpose_lhs_hint = false} : vector<3200x128xf32>, vector<128x128xf32>, vector<3200x128xf32> -> vector<3200x128xf32>
      %add3A_133 = arith.addf %while3A_115, %dot_general3A_132 : vector<3200x128xf32>
      scf.yield %add3A_133 : vector<3200x128xf32>
    }
    %while3A_55 = arith.constant 1 : i32
    %while3A_56 = scf.for %while3A_114 = %while3A_52 to %while3A_48 step %while3A_55 iter_args(%while3A_115 = %while3A_54) -> (vector<3200x128xf32>)  : i32 {
      %mul3A = arith.constant 128 : i32
      %mul3A_116 = arith.muli %while3A_114, %mul3A : i32
      %get3A_117 = arith.index_cast %mul3A_116 : i32 to index
      %get3A_118 = arith.constant 0 : index
      %get3A_119 = vector.load %arg14[%get3A_117, %get3A_118] : memref<10112x128xf32, #tpu.memory_space<vmem>>, vector<128x128xf32>
      %mul3A_120 = arith.constant 128 : i32
      %mul3A_121 = arith.muli %while3A_114, %mul3A_120 : i32
      %sub3A_122 = vector.broadcast %mul3A_121 : i32 to vector<3200x1xi32>
      %sub3A_123 = arith.subi %get3A_46, %sub3A_122 : vector<3200x1xi32>
      %eq3A = vector.broadcast %sub3A_123 : vector<3200x1xi32> to vector<3200x128xi32>
      %eq3A_124 = vector.broadcast %iota3A : vector<1x128xi32> to vector<3200x128xi32>
      %eq3A_125 = arith.cmpi eq, %eq3A, %eq3A_124 : vector<3200x128xi32>
      %jit3A_126 = arith.constant 1.000000e+00 : f32
      %jit3A_127 = arith.constant 0.000000e+00 : f32
      %broadcast_in_dim3A_128 = vector.broadcast %jit3A_126 : f32 to vector<3200x128xf32>
      %broadcast_in_dim3A_129 = vector.broadcast %jit3A_127 : f32 to vector<3200x128xf32>
      %select_n3A_130 = arith.select %eq3A_125, %broadcast_in_dim3A_128, %broadcast_in_dim3A_129 : vector<3200x128xi1>, vector<3200x128xf32>
      %dot_general3A_131 = arith.constant dense<0.000000e+00> : vector<3200x128xf32>
      %dot_general3A_132 = tpu.matmul %select_n3A_130, %get3A_119, %dot_general3A_131 {dimension_numbers = #tpu.dot_dimension_numbers<[1], [0], [0], [1], [0, 0, 1, 1], [], []>, transpose_lhs_hint = false} : vector<3200x128xf32>, vector<128x128xf32>, vector<3200x128xf32> -> vector<3200x128xf32>
      %add3A_133 = arith.addf %while3A_115, %dot_general3A_132 : vector<3200x128xf32>
      scf.yield %add3A_133 : vector<3200x128xf32>
    }
    %get3A_57 = arith.constant 0 : index
    %get3A_58 = arith.constant 0 : index
    %get3A_59 = vector.load %arg4[%get3A_57, %get3A_58] : memref<3200x128xf32, #tpu.memory_space<vmem>>, vector<3200x128xf32>
    %add3A_60 = arith.addf %get3A_59, %while3A_56 : vector<3200x128xf32>
    %get3A_61 = arith.constant 0 : index
    %get3A_62 = arith.constant 0 : index
    %get3A_63 = vector.load %arg7[%get3A_61, %get3A_62] : memref<1x128xf32, #tpu.memory_space<vmem>>, vector<1x128xf32>
    %add3A_64 = vector.broadcast %get3A_63 : vector<1x128xf32> to vector<3200x128xf32>
    %add3A_65 = arith.addf %add3A_60, %add3A_64 : vector<3200x128xf32>
    %get3A_66 = arith.constant 0 : index
    %get3A_67 = arith.constant 0 : index
    %get3A_68 = vector.load %arg3[%get3A_66, %get3A_67] : memref<3200x4xf32, #tpu.memory_space<vmem>>, vector<3200x4xf32>
    %get3A_69 = arith.constant 0 : index
    %get3A_70 = arith.constant 0 : index
    %get3A_71 = vector.load %arg6[%get3A_69, %get3A_70] : memref<4x128xf32, #tpu.memory_space<vmem>>, vector<4x128xf32>
    %dot_general3A = arith.constant dense<0.000000e+00> : vector<3200x128xf32>
    %dot_general3A_72 = tpu.matmul %get3A_68, %get3A_71, %dot_general3A {dimension_numbers = #tpu.dot_dimension_numbers<[1], [0], [0], [1], [0, 0, 1, 1], [], []>, transpose_lhs_hint = false} : vector<3200x4xf32>, vector<4x128xf32>, vector<3200x128xf32> -> vector<3200x128xf32>
    %add3A_73 = arith.addf %add3A_65, %dot_general3A_72 : vector<3200x128xf32>
    %max3A = arith.constant 0.000000e+00 : f32
    %max3A_74 = vector.broadcast %max3A : f32 to vector<3200x128xf32>
    %max3A_75 = arith.maximumf %add3A_73, %max3A_74 : vector<3200x128xf32>
    %get3A_76 = arith.constant 0 : index
    %get3A_77 = arith.constant 0 : index
    %get3A_78 = vector.load %arg8[%get3A_76, %get3A_77] : memref<128x128xf32, #tpu.memory_space<vmem>>, vector<128x128xf32>
    %dot_general3A_79 = arith.constant dense<0.000000e+00> : vector<3200x128xf32>
    %dot_general3A_80 = tpu.matmul %max3A_75, %get3A_78, %dot_general3A_79 {dimension_numbers = #tpu.dot_dimension_numbers<[1], [0], [0], [1], [0, 0, 1, 1], [], []>, transpose_lhs_hint = false} : vector<3200x128xf32>, vector<128x128xf32>, vector<3200x128xf32> -> vector<3200x128xf32>
    %get3A_81 = arith.constant 0 : index
    %get3A_82 = arith.constant 0 : index
    %get3A_83 = vector.load %arg9[%get3A_81, %get3A_82] : memref<1x128xf32, #tpu.memory_space<vmem>>, vector<1x128xf32>
    %add3A_84 = vector.broadcast %get3A_83 : vector<1x128xf32> to vector<3200x128xf32>
    %add3A_85 = arith.addf %dot_general3A_80, %add3A_84 : vector<3200x128xf32>
    %swap3A = arith.constant 0 : index
    %swap3A_86 = arith.constant 0 : index
    %swap3A_87 = vector.load %arg15[%swap3A, %swap3A_86] : memref<3200x128xf32, #tpu.memory_space<vmem>>, vector<3200x128xf32>
    tpu.vector_store %arg15[%swap3A, %swap3A_86], %add3A_85 {strides = array<i32>} : memref<3200x128xf32, #tpu.memory_space<vmem>>, vector<3200x128xf32>,
    %get3A_88 = arith.constant 0 : index
    %get3A_89 = arith.constant 0 : index
    %get3A_90 = vector.load %arg10[%get3A_88, %get3A_89] : memref<128x128xf32, #tpu.memory_space<vmem>>, vector<128x128xf32>
    %dot_general3A_91 = arith.constant dense<0.000000e+00> : vector<3200x128xf32>
    %dot_general3A_92 = tpu.matmul %add3A_85, %get3A_90, %dot_general3A_91 {dimension_numbers = #tpu.dot_dimension_numbers<[1], [0], [0], [1], [0, 0, 1, 1], [], []>, transpose_lhs_hint = false} : vector<3200x128xf32>, vector<128x128xf32>, vector<3200x128xf32> -> vector<3200x128xf32>
    %get3A_93 = arith.constant 0 : index
    %get3A_94 = arith.constant 0 : index
    %get3A_95 = vector.load %arg11[%get3A_93, %get3A_94] : memref<1x128xf32, #tpu.memory_space<vmem>>, vector<1x128xf32>
    %add3A_96 = vector.broadcast %get3A_95 : vector<1x128xf32> to vector<3200x128xf32>
    %add3A_97 = arith.addf %dot_general3A_92, %add3A_96 : vector<3200x128xf32>
    %max3A_98 = arith.constant 0.000000e+00 : f32
    %max3A_99 = vector.broadcast %max3A_98 : f32 to vector<3200x128xf32>
    %max3A_100 = arith.maximumf %add3A_97, %max3A_99 : vector<3200x128xf32>
    %get3A_101 = arith.constant 0 : index
    %get3A_102 = arith.constant 0 : index
    %get3A_103 = vector.load %arg12[%get3A_101, %get3A_102] : memref<128x1xf32, #tpu.memory_space<vmem>>, vector<128x1xf32>
    %dot_general3A_104 = arith.constant dense<0.000000e+00> : vector<3200x1xf32>
    %dot_general3A_105 = tpu.matmul %max3A_100, %get3A_103, %dot_general3A_104 {dimension_numbers = #tpu.dot_dimension_numbers<[1], [0], [0], [1], [0, 0, 1, 1], [], []>, transpose_lhs_hint = false} : vector<3200x128xf32>, vector<128x1xf32>, vector<3200x1xf32> -> vector<3200x1xf32>
    %get3A_106 = arith.constant 0 : index
    %get3A_107 = arith.constant 0 : index
    %get3A_108 = vector.load %arg13[%get3A_106, %get3A_107] : memref<1x1xf32, #tpu.memory_space<vmem>>, vector<1x1xf32>
    %add3A_109 = vector.broadcast %get3A_108 : vector<1x1xf32> to vector<3200x1xf32>
    %add3A_110 = arith.addf %dot_general3A_105, %add3A_109 : vector<3200x1xf32>
    %swap3A_111 = arith.constant 0 : index
    %swap3A_112 = arith.constant 0 : index
    %swap3A_113 = vector.load %arg16[%swap3A_111, %swap3A_112] : memref<3200x1xf32, #tpu.memory_space<vmem>>, vector<3200x1xf32>
    tpu.vector_store %arg16[%swap3A_111, %swap3A_112], %add3A_110 {strides = array<i32>} : memref<3200x1xf32, #tpu.memory_space<vmem>>, vector<3200x1xf32>,
    return
  }
  func.func @transform_0(%arg0: i32, %arg1: memref<100xi32, #tpu.memory_space<smem>>, %arg2: memref<100xi32, #tpu.memory_space<smem>>) -> (i32, i32) {
    %c0_i32 = arith.constant 0 : i32
    %c0_i32_0 = arith.constant 0 : i32
    return %arg0, %c0_i32 : i32, i32
  }
  func.func @transform_1(%arg0: i32, %arg1: memref<100xi32, #tpu.memory_space<smem>>, %arg2: memref<100xi32, #tpu.memory_space<smem>>) -> (i32, i32) {
    %c0_i32 = arith.constant 0 : i32
    %c0_i32_0 = arith.constant 0 : i32
    return %arg0, %c0_i32 : i32, i32
  }
  func.func @transform_2(%arg0: i32, %arg1: memref<100xi32, #tpu.memory_space<smem>>, %arg2: memref<100xi32, #tpu.memory_space<smem>>) -> (i32, i32) {
    %c0_i32 = arith.constant 0 : i32
    %c0_i32_0 = arith.constant 0 : i32
    return %arg0, %c0_i32 : i32, i32
  }
  func.func @transform_3(%arg0: i32, %arg1: memref<100xi32, #tpu.memory_space<smem>>, %arg2: memref<100xi32, #tpu.memory_space<smem>>) -> (i32, i32) {
    %c0_i32 = arith.constant 0 : i32
    %c0_i32_0 = arith.constant 0 : i32
    %c0_i32_1 = arith.constant 0 : i32
    return %c0_i32, %c0_i32_0 : i32, i32
  }
  func.func @transform_4(%arg0: i32, %arg1: memref<100xi32, #tpu.memory_space<smem>>, %arg2: memref<100xi32, #tpu.memory_space<smem>>) -> (i32, i32) {
    %c0_i32 = arith.constant 0 : i32
    %c0_i32_0 = arith.constant 0 : i32
    %c0_i32_1 = arith.constant 0 : i32
    return %c0_i32, %c0_i32_0 : i32, i32
  }
  func.func @transform_5(%arg0: i32, %arg1: memref<100xi32, #tpu.memory_space<smem>>, %arg2: memref<100xi32, #tpu.memory_space<smem>>) -> (i32, i32) {
    %c0_i32 = arith.constant 0 : i32
    %c0_i32_0 = arith.constant 0 : i32
    %c0_i32_1 = arith.constant 0 : i32
    return %c0_i32, %c0_i32_0 : i32, i32
  }
  func.func @transform_6(%arg0: i32, %arg1: memref<100xi32, #tpu.memory_space<smem>>, %arg2: memref<100xi32, #tpu.memory_space<smem>>) -> (i32, i32) {
    %c0_i32 = arith.constant 0 : i32
    %c0_i32_0 = arith.constant 0 : i32
    %c0_i32_1 = arith.constant 0 : i32
    return %c0_i32, %c0_i32_0 : i32, i32
  }
  func.func @transform_7(%arg0: i32, %arg1: memref<100xi32, #tpu.memory_space<smem>>, %arg2: memref<100xi32, #tpu.memory_space<smem>>) -> (i32, i32) {
    %c0_i32 = arith.constant 0 : i32
    %c0_i32_0 = arith.constant 0 : i32
    %c0_i32_1 = arith.constant 0 : i32
    return %c0_i32, %c0_i32_0 : i32, i32
  }
  func.func @transform_8(%arg0: i32, %arg1: memref<100xi32, #tpu.memory_space<smem>>, %arg2: memref<100xi32, #tpu.memory_space<smem>>) -> (i32, i32) {
    %c0_i32 = arith.constant 0 : i32
    %c0_i32_0 = arith.constant 0 : i32
    %c0_i32_1 = arith.constant 0 : i32
    return %c0_i32, %c0_i32_0 : i32, i32
  }
  func.func @transform_9(%arg0: i32, %arg1: memref<100xi32, #tpu.memory_space<smem>>, %arg2: memref<100xi32, #tpu.memory_space<smem>>) -> (i32, i32) {
    %c0_i32 = arith.constant 0 : i32
    %c0_i32_0 = arith.constant 0 : i32
    %c0_i32_1 = arith.constant 0 : i32
    return %c0_i32, %c0_i32_0 : i32, i32
  }
  func.func @transform_10(%arg0: i32, %arg1: memref<100xi32, #tpu.memory_space<smem>>, %arg2: memref<100xi32, #tpu.memory_space<smem>>) -> (i32, i32) {
    %c0_i32 = arith.constant 0 : i32
    %c0_i32_0 = arith.constant 0 : i32
    %c0_i32_1 = arith.constant 0 : i32
    return %c0_i32, %c0_i32_0 : i32, i32
  }
  func.func @transform_11(%arg0: i32, %arg1: memref<100xi32, #tpu.memory_space<smem>>, %arg2: memref<100xi32, #tpu.memory_space<smem>>) -> (i32, i32) {
    %c0_i32 = arith.constant 0 : i32
    %c0_i32_0 = arith.constant 0 : i32
    %c0_i32_1 = arith.constant 0 : i32
    return %c0_i32, %c0_i32_0 : i32, i32
  }
  func.func @transform_12(%arg0: i32, %arg1: memref<100xi32, #tpu.memory_space<smem>>, %arg2: memref<100xi32, #tpu.memory_space<smem>>) -> (i32, i32) {
    %c0_i32 = arith.constant 0 : i32
    %c0_i32_0 = arith.constant 0 : i32
    return %arg0, %c0_i32 : i32, i32
  }
  func.func @transform_13(%arg0: i32, %arg1: memref<100xi32, #tpu.memory_space<smem>>, %arg2: memref<100xi32, #tpu.memory_space<smem>>) -> (i32, i32) {
    %c0_i32 = arith.constant 0 : i32
    %c0_i32_0 = arith.constant 0 : i32
    return %arg0, %c0_i32 : i32, i32
  }
}

module attributes {stable_mosaic.version = 14 : i64} {
  func.func @_seg_body(%arg0: i32, %arg1: memref<79xi32, #tpu.memory_space<smem>>, %arg2: memref<79xi32, #tpu.memory_space<smem>>, %arg3: memref<625x512xf32, #tpu.memory_space<vmem>>, %arg4: memref<625x512xi32, #tpu.memory_space<vmem>>, %arg5: memref<320000x128xf32, #tpu.memory_space<any>>, %arg6: memref<128x128xf32, #tpu.memory_space<vmem>>, %arg7: memref<512x128xf32, #tpu.memory_space<vmem>>, %arg8: memref<512x128xf32, #tpu.memory_space<vmem>>, %arg9: memref<!tpu.dma_semaphore, #tpu.memory_space<semaphore_mem>>, %arg10: memref<!tpu.dma_semaphore, #tpu.memory_space<semaphore_mem>>) attributes {dimension_semantics = [#tpu.dimension_semantics<arbitrary>], iteration_bounds = array<i64: 79>, scalar_prefetch = 2 : i64, scratch_operands = 4 : i64, tpu.core_type = #tpu.core_type<tc>, window_params = [{pipeline_mode = #tpu.pipeline_mode<synchronous>, transform_indices = @transform_0, window_bounds = array<i64: 625, 512>}, {pipeline_mode = #tpu.pipeline_mode<synchronous>, transform_indices = @transform_1, window_bounds = array<i64: 625, 512>}, {}, {transform_indices = @transform_3, window_bounds = array<i64: 128, 128>}]} {
    %mul3A = arith.constant 128 : i32
    %mul3A_0 = arith.muli %arg0, %mul3A : i32
    %get3A = arith.index_cast %arg0 : i32 to index
    %get3A_1 = memref.load %arg1[%get3A] : memref<79xi32, #tpu.memory_space<smem>>
    %get3A_2 = arith.index_cast %arg0 : i32 to index
    %get3A_3 = memref.load %arg2[%get3A_2] : memref<79xi32, #tpu.memory_space<smem>>
    %jit3A = arith.constant 512 : i32
    %div3A = arith.divsi %get3A_1, %jit3A : i32
    %sign3A = arith.constant 0 : i32
    %sign3A_4 = arith.cmpi sgt, %get3A_1, %sign3A : i32
    %sign3A_5 = arith.extui %sign3A_4 : i1 to i32
    %sign3A_6 = arith.constant 0 : i32
    %sign3A_7 = arith.cmpi slt, %get3A_1, %sign3A_6 : i32
    %sign3A_8 = arith.extui %sign3A_7 : i1 to i32
    %sign3A_9 = arith.subi %sign3A_5, %sign3A_8 : i32
    %sign3A_10 = arith.constant 0 : i32
    %sign3A_11 = arith.cmpi sgt, %jit3A, %sign3A_10 : i32
    %sign3A_12 = arith.extui %sign3A_11 : i1 to i32
    %sign3A_13 = arith.constant 0 : i32
    %sign3A_14 = arith.cmpi slt, %jit3A, %sign3A_13 : i32
    %sign3A_15 = arith.extui %sign3A_14 : i1 to i32
    %sign3A_16 = arith.subi %sign3A_12, %sign3A_15 : i32
    %ne3A = arith.cmpi ne, %sign3A_9, %sign3A_16 : i32
    %rem3A = arith.remsi %get3A_1, %jit3A : i32
    %ne3A_17 = arith.constant 0 : i32
    %ne3A_18 = arith.cmpi ne, %rem3A, %ne3A_17 : i32
    %and3A = arith.andi %ne3A, %ne3A_18 : i1
    %sub3A = arith.constant 1 : i32
    %sub3A_19 = arith.subi %div3A, %sub3A : i32
    %select_n3A = arith.select %and3A, %sub3A_19, %div3A : i32
    %gt3A = arith.cmpi sgt, %get3A_3, %get3A_1 : i32
    %add3A = arith.constant 512 : i32
    %add3A_20 = arith.addi %get3A_3, %add3A : i32
    %sub3A_21 = arith.constant 1 : i32
    %sub3A_22 = arith.subi %add3A_20, %sub3A_21 : i32
    %jit3A_23 = arith.constant 512 : i32
    %div3A_24 = arith.divsi %sub3A_22, %jit3A_23 : i32
    %sign3A_25 = arith.constant 0 : i32
    %sign3A_26 = arith.cmpi sgt, %sub3A_22, %sign3A_25 : i32
    %sign3A_27 = arith.extui %sign3A_26 : i1 to i32
    %sign3A_28 = arith.constant 0 : i32
    %sign3A_29 = arith.cmpi slt, %sub3A_22, %sign3A_28 : i32
    %sign3A_30 = arith.extui %sign3A_29 : i1 to i32
    %sign3A_31 = arith.subi %sign3A_27, %sign3A_30 : i32
    %sign3A_32 = arith.constant 0 : i32
    %sign3A_33 = arith.cmpi sgt, %jit3A_23, %sign3A_32 : i32
    %sign3A_34 = arith.extui %sign3A_33 : i1 to i32
    %sign3A_35 = arith.constant 0 : i32
    %sign3A_36 = arith.cmpi slt, %jit3A_23, %sign3A_35 : i32
    %sign3A_37 = arith.extui %sign3A_36 : i1 to i32
    %sign3A_38 = arith.subi %sign3A_34, %sign3A_37 : i32
    %ne3A_39 = arith.cmpi ne, %sign3A_31, %sign3A_38 : i32
    %rem3A_40 = arith.remsi %sub3A_22, %jit3A_23 : i32
    %ne3A_41 = arith.constant 0 : i32
    %ne3A_42 = arith.cmpi ne, %rem3A_40, %ne3A_41 : i32
    %and3A_43 = arith.andi %ne3A_39, %ne3A_42 : i1
    %sub3A_44 = arith.constant 1 : i32
    %sub3A_45 = arith.subi %div3A_24, %sub3A_44 : i32
    %select_n3A_46 = arith.select %and3A_43, %sub3A_45, %div3A_24 : i32
    %select_n3A_47 = arith.select %gt3A, %select_n3A_46, %select_n3A : i32
    %iota3A = tpu.iota {dimensions = array<i32: 0>} : vector<128x1xi32>
    %add3A_48 = vector.broadcast %mul3A_0 : i32 to vector<128x1xi32>
    %add3A_49 = arith.addi %add3A_48, %iota3A : vector<128x1xi32>
    %min3A = arith.constant 624 : i32
    %min3A_50 = arith.minsi %select_n3A, %min3A : i32
    %mul3A_51 = arith.constant 512 : i32
    %mul3A_52 = arith.muli %min3A_50, %mul3A_51 : i32
    %dma_start3A = arith.constant 0 : i32
    %dma_start3A_53 = tpu.memref_slice %arg5[%mul3A_52, %dma_start3A] : memref<320000x128xf32, #tpu.memory_space<any>> -> memref<512x128xf32, #tpu.memory_space<any>>
    tpu.enqueue_dma source(%dma_start3A_53 : memref<512x128xf32, #tpu.memory_space<any>>) target(%arg7 : memref<512x128xf32, #tpu.memory_space<vmem>>) target_semaphore(%arg9 : memref<!tpu.dma_semaphore, #tpu.memory_space<semaphore_mem>>)
    %add3A_54 = arith.constant 1 : i32
    %add3A_55 = arith.addi %select_n3A, %add3A_54 : i32
    %min3A_56 = arith.constant 624 : i32
    %min3A_57 = arith.minsi %add3A_55, %min3A_56 : i32
    %mul3A_58 = arith.constant 512 : i32
    %mul3A_59 = arith.muli %min3A_57, %mul3A_58 : i32
    %dma_start3A_60 = arith.constant 0 : i32
    %dma_start3A_61 = tpu.memref_slice %arg5[%mul3A_59, %dma_start3A_60] : memref<320000x128xf32, #tpu.memory_space<any>> -> memref<512x128xf32, #tpu.memory_space<any>>
    tpu.enqueue_dma source(%dma_start3A_61 : memref<512x128xf32, #tpu.memory_space<any>>) target(%arg8 : memref<512x128xf32, #tpu.memory_space<vmem>>) target_semaphore(%arg10 : memref<!tpu.dma_semaphore, #tpu.memory_space<semaphore_mem>>)
    %sub3A_62 = arith.subi %select_n3A_47, %select_n3A : i32
    %add3A_63 = arith.constant 1 : i32
    %add3A_64 = arith.addi %sub3A_62, %add3A_63 : i32
    %jit3A_65 = arith.constant 2 : i32
    %div3A_66 = arith.divsi %add3A_64, %jit3A_65 : i32
    %sign3A_67 = arith.constant 0 : i32
    %sign3A_68 = arith.cmpi sgt, %add3A_64, %sign3A_67 : i32
    %sign3A_69 = arith.extui %sign3A_68 : i1 to i32
    %sign3A_70 = arith.constant 0 : i32
    %sign3A_71 = arith.cmpi slt, %add3A_64, %sign3A_70 : i32
    %sign3A_72 = arith.extui %sign3A_71 : i1 to i32
    %sign3A_73 = arith.subi %sign3A_69, %sign3A_72 : i32
    %sign3A_74 = arith.constant 0 : i32
    %sign3A_75 = arith.cmpi sgt, %jit3A_65, %sign3A_74 : i32
    %sign3A_76 = arith.extui %sign3A_75 : i1 to i32
    %sign3A_77 = arith.constant 0 : i32
    %sign3A_78 = arith.cmpi slt, %jit3A_65, %sign3A_77 : i32
    %sign3A_79 = arith.extui %sign3A_78 : i1 to i32
    %sign3A_80 = arith.subi %sign3A_76, %sign3A_79 : i32
    %ne3A_81 = arith.cmpi ne, %sign3A_73, %sign3A_80 : i32
    %rem3A_82 = arith.remsi %add3A_64, %jit3A_65 : i32
    %ne3A_83 = arith.constant 0 : i32
    %ne3A_84 = arith.cmpi ne, %rem3A_82, %ne3A_83 : i32
    %and3A_85 = arith.andi %ne3A_81, %ne3A_84 : i1
    %sub3A_86 = arith.constant 1 : i32
    %sub3A_87 = arith.subi %div3A_66, %sub3A_86 : i32
    %select_n3A_88 = arith.select %and3A_85, %sub3A_87, %div3A_66 : i32
    %broadcast_in_dim3A = arith.constant -1.000000e+30 : f32
    %broadcast_in_dim3A_89 = vector.broadcast %broadcast_in_dim3A : f32 to vector<128x1xf32>
    %broadcast_in_dim3A_90 = arith.constant 0.000000e+00 : f32
    %broadcast_in_dim3A_91 = vector.broadcast %broadcast_in_dim3A_90 : f32 to vector<128x1xf32>
    %broadcast_in_dim3A_92 = arith.constant 0.000000e+00 : f32
    %broadcast_in_dim3A_93 = vector.broadcast %broadcast_in_dim3A_92 : f32 to vector<128x128xf32>
    %while3A = arith.constant -1.000000e+30 : f32
    %while3A_94 = arith.constant 0 : i32
    %while3A_95 = arith.subi %select_n3A_88, %while3A_94 : i32
    %while3A_96 = arith.addi %while3A_94, %while3A_95 : i32
    %while3A_97 = arith.constant 1 : i32
    %while3A_98 = arith.divsi %while3A_95, %while3A_97 : i32
    %while3A_99 = arith.muli %while3A_98, %while3A_97 : i32
    %while3A_100 = arith.addi %while3A_94, %while3A_99 : i32
    %while3A_101 = arith.constant 1 : i32
    %while3A_102:3 = scf.for %while3A_130 = %while3A_94 to %while3A_100 step %while3A_101 iter_args(%while3A_131 = %broadcast_in_dim3A_89, %while3A_132 = %broadcast_in_dim3A_91, %while3A_133 = %broadcast_in_dim3A_93) -> (vector<128x1xf32>, vector<128x1xf32>, vector<128x128xf32>)  : i32 {
      %mul3A_134 = arith.constant 2 : i32
      %mul3A_135 = arith.muli %mul3A_134, %while3A_130 : i32
      %add3A_136 = arith.addi %select_n3A, %mul3A_135 : i32
      %min3A_137 = arith.constant 624 : i32
      %min3A_138 = arith.minsi %add3A_136, %min3A_137 : i32
      %mul3A_139 = arith.constant 512 : i32
      %mul3A_140 = arith.muli %min3A_138, %mul3A_139 : i32
      %dma_wait3A_141 = arith.constant 0 : i32
      %dma_wait3A_142 = tpu.memref_slice %arg5[%mul3A_140, %dma_wait3A_141] : memref<320000x128xf32, #tpu.memory_space<any>> -> memref<512x128xf32, #tpu.memory_space<any>>
      tpu.wait_dma2 semaphore(%arg9 : memref<!tpu.dma_semaphore, #tpu.memory_space<semaphore_mem>>) src(%dma_wait3A_142 : memref<512x128xf32, #tpu.memory_space<any>>) dst(%arg7 : memref<512x128xf32, #tpu.memory_space<vmem>>)
      %min3A_143 = arith.constant 624 : i32
      %min3A_144 = arith.minsi %add3A_136, %min3A_143 : i32
      %get3A_145 = arith.index_cast %min3A_144 : i32 to index
      %get3A_146 = arith.constant 0 : index
      %get3A_147 = vector.load %arg3[%get3A_145, %get3A_146] : memref<625x512xf32, #tpu.memory_space<vmem>>, vector<1x512xf32>
      %get3A_148 = arith.index_cast %min3A_144 : i32 to index
      %get3A_149 = arith.constant 0 : index
      %get3A_150 = vector.load %arg4[%get3A_148, %get3A_149] : memref<625x512xi32, #tpu.memory_space<vmem>>, vector<1x512xi32>
      %eq3A = vector.broadcast %get3A_150 : vector<1x512xi32> to vector<128x512xi32>
      %eq3A_151 = vector.broadcast %add3A_49 : vector<128x1xi32> to vector<128x512xi32>
      %eq3A_152 = arith.cmpi eq, %eq3A, %eq3A_151 : vector<128x512xi32>
      %lt3A = arith.cmpi slt, %add3A_136, %select_n3A_47 : i32
      %and3A_153 = vector.broadcast %lt3A : i1 to vector<128x512xi1>
      %and3A_154 = arith.andi %eq3A_152, %and3A_153 : vector<128x512xi1>
      %jit3A_155 = arith.constant 1.000000e+00 : f32
      %jit3A_156 = arith.constant 0.000000e+00 : f32
      %broadcast_in_dim3A_157 = vector.broadcast %jit3A_155 : f32 to vector<128x512xf32>
      %broadcast_in_dim3A_158 = vector.broadcast %jit3A_156 : f32 to vector<128x512xf32>
      %select_n3A_159 = arith.select %and3A_154, %broadcast_in_dim3A_157, %broadcast_in_dim3A_158 : vector<128x512xi1>, vector<128x512xf32>
      %broadcast_in_dim3A_160 = vector.shape_cast %get3A_147 : vector<1x512xf32> to vector<1x512xf32>
      %broadcast_in_dim3A_161 = vector.broadcast %broadcast_in_dim3A_160 : vector<1x512xf32> to vector<128x512xf32>
      %broadcast_in_dim3A_162 = vector.broadcast %while3A : f32 to vector<128x512xf32>
      %select_n3A_163 = arith.select %and3A_154, %broadcast_in_dim3A_161, %broadcast_in_dim3A_162 : vector<128x512xi1>, vector<128x512xf32>
      %reduce_max3A = arith.constant dense<0xFF800000> : vector<128xf32>
      %reduce_max3A_164 = vector.multi_reduction <maximumf>, %select_n3A_163, %reduce_max3A [1] : vector<128x512xf32> to vector<128xf32>
      %broadcast_in_dim3A_165 = vector.shape_cast %reduce_max3A_164 : vector<128xf32> to vector<128x1xf32>
      %max3A_166 = arith.maximumf %while3A_131, %broadcast_in_dim3A_165 : vector<128x1xf32>
      %broadcast_in_dim3A_167 = vector.shape_cast %max3A_166 : vector<128x1xf32> to vector<128x1xf32>
      %broadcast_in_dim3A_168 = vector.broadcast %broadcast_in_dim3A_167 : vector<128x1xf32> to vector<128x512xf32>
      %broadcast_in_dim3A_169 = vector.broadcast %while3A : f32 to vector<128x512xf32>
      %select_n3A_170 = arith.select %and3A_154, %broadcast_in_dim3A_168, %broadcast_in_dim3A_169 : vector<128x512xi1>, vector<128x512xf32>
      %reduce_max3A_171 = arith.constant dense<0xFF800000> : vector<512xf32>
      %reduce_max3A_172 = vector.multi_reduction <maximumf>, %select_n3A_170, %reduce_max3A_171 [0] : vector<128x512xf32> to vector<512xf32>
      %broadcast_in_dim3A_173 = vector.shape_cast %reduce_max3A_172 : vector<512xf32> to vector<1x512xf32>
      %ge3A = vector.broadcast %mul3A_0 : i32 to vector<1x512xi32>
      %ge3A_174 = arith.cmpi sge, %get3A_150, %ge3A : vector<1x512xi32>
      %add3A_175 = arith.constant 128 : i32
      %add3A_176 = arith.addi %mul3A_0, %add3A_175 : i32
      %lt3A_177 = vector.broadcast %add3A_176 : i32 to vector<1x512xi32>
      %lt3A_178 = arith.cmpi slt, %get3A_150, %lt3A_177 : vector<1x512xi32>
      %and3A_179 = arith.andi %ge3A_174, %lt3A_178 : vector<1x512xi1>
      %lt3A_180 = arith.cmpi slt, %add3A_136, %select_n3A_47 : i32
      %and3A_181 = vector.broadcast %lt3A_180 : i1 to vector<1x512xi1>
      %and3A_182 = arith.andi %and3A_179, %and3A_181 : vector<1x512xi1>
      %sub3A_183 = arith.subf %get3A_147, %broadcast_in_dim3A_173 : vector<1x512xf32>
      %jit3A_184 = arith.constant 0.000000e+00 : f32
      %broadcast_in_dim3A_185 = vector.broadcast %jit3A_184 : f32 to vector<1x512xf32>
      %select_n3A_186 = arith.select %and3A_182, %sub3A_183, %broadcast_in_dim3A_185 : vector<1x512xi1>, vector<1x512xf32>
      %exp3A = math.exp %select_n3A_186 : vector<1x512xf32>
      %mul3A_187 = vector.broadcast %exp3A : vector<1x512xf32> to vector<128x512xf32>
      %mul3A_188 = arith.mulf %select_n3A_159, %mul3A_187 : vector<128x512xf32>
      %sub3A_189 = arith.subf %while3A_131, %max3A_166 : vector<128x1xf32>
      %exp3A_190 = math.exp %sub3A_189 : vector<128x1xf32>
      %mul3A_191 = arith.mulf %while3A_132, %exp3A_190 : vector<128x1xf32>
      %reduce_sum3A = arith.constant dense<0.000000e+00> : vector<128xf32>
      %reduce_sum3A_192 = vector.multi_reduction <add>, %mul3A_188, %reduce_sum3A [1] : vector<128x512xf32> to vector<128xf32>
      %broadcast_in_dim3A_193 = vector.shape_cast %reduce_sum3A_192 : vector<128xf32> to vector<128x1xf32>
      %add3A_194 = arith.addf %mul3A_191, %broadcast_in_dim3A_193 : vector<128x1xf32>
      %mul3A_195 = vector.broadcast %exp3A_190 : vector<128x1xf32> to vector<128x128xf32>
      %mul3A_196 = arith.mulf %while3A_133, %mul3A_195 : vector<128x128xf32>
      %get3A_197 = arith.constant 0 : index
      %get3A_198 = arith.constant 0 : index
      %get3A_199 = vector.load %arg7[%get3A_197, %get3A_198] : memref<512x128xf32, #tpu.memory_space<vmem>>, vector<512x128xf32>
      %dot_general3A = arith.constant dense<0.000000e+00> : vector<128x128xf32>
      %dot_general3A_200 = tpu.matmul %mul3A_188, %get3A_199, %dot_general3A {dimension_numbers = #tpu.dot_dimension_numbers<[1], [0], [0], [1], [0, 0, 1, 1], [], []>, transpose_lhs_hint = false} : vector<128x512xf32>, vector<512x128xf32>, vector<128x128xf32> -> vector<128x128xf32>
      %add3A_201 = arith.addf %mul3A_196, %dot_general3A_200 : vector<128x128xf32>
      %add3A_202 = arith.constant 2 : i32
      %add3A_203 = arith.addi %add3A_136, %add3A_202 : i32
      %min3A_204 = arith.constant 624 : i32
      %min3A_205 = arith.minsi %add3A_203, %min3A_204 : i32
      %mul3A_206 = arith.constant 512 : i32
      %mul3A_207 = arith.muli %min3A_205, %mul3A_206 : i32
      %dma_start3A_208 = arith.constant 0 : i32
      %dma_start3A_209 = tpu.memref_slice %arg5[%mul3A_207, %dma_start3A_208] : memref<320000x128xf32, #tpu.memory_space<any>> -> memref<512x128xf32, #tpu.memory_space<any>>
      tpu.enqueue_dma source(%dma_start3A_209 : memref<512x128xf32, #tpu.memory_space<any>>) target(%arg7 : memref<512x128xf32, #tpu.memory_space<vmem>>) target_semaphore(%arg9 : memref<!tpu.dma_semaphore, #tpu.memory_space<semaphore_mem>>)
      %add3A_210 = arith.constant 1 : i32
      %add3A_211 = arith.addi %add3A_136, %add3A_210 : i32
      %min3A_212 = arith.constant 624 : i32
      %min3A_213 = arith.minsi %add3A_211, %min3A_212 : i32
      %mul3A_214 = arith.constant 512 : i32
      %mul3A_215 = arith.muli %min3A_213, %mul3A_214 : i32
      %dma_wait3A_216 = arith.constant 0 : i32
      %dma_wait3A_217 = tpu.memref_slice %arg5[%mul3A_215, %dma_wait3A_216] : memref<320000x128xf32, #tpu.memory_space<any>> -> memref<512x128xf32, #tpu.memory_space<any>>
      tpu.wait_dma2 semaphore(%arg10 : memref<!tpu.dma_semaphore, #tpu.memory_space<semaphore_mem>>) src(%dma_wait3A_217 : memref<512x128xf32, #tpu.memory_space<any>>) dst(%arg8 : memref<512x128xf32, #tpu.memory_space<vmem>>)
      %min3A_218 = arith.constant 624 : i32
      %min3A_219 = arith.minsi %add3A_211, %min3A_218 : i32
      %get3A_220 = arith.index_cast %min3A_219 : i32 to index
      %get3A_221 = arith.constant 0 : index
      %get3A_222 = vector.load %arg3[%get3A_220, %get3A_221] : memref<625x512xf32, #tpu.memory_space<vmem>>, vector<1x512xf32>
      %get3A_223 = arith.index_cast %min3A_219 : i32 to index
      %get3A_224 = arith.constant 0 : index
      %get3A_225 = vector.load %arg4[%get3A_223, %get3A_224] : memref<625x512xi32, #tpu.memory_space<vmem>>, vector<1x512xi32>
      %eq3A_226 = vector.broadcast %get3A_225 : vector<1x512xi32> to vector<128x512xi32>
      %eq3A_227 = vector.broadcast %add3A_49 : vector<128x1xi32> to vector<128x512xi32>
      %eq3A_228 = arith.cmpi eq, %eq3A_226, %eq3A_227 : vector<128x512xi32>
      %lt3A_229 = arith.cmpi slt, %add3A_211, %select_n3A_47 : i32
      %and3A_230 = vector.broadcast %lt3A_229 : i1 to vector<128x512xi1>
      %and3A_231 = arith.andi %eq3A_228, %and3A_230 : vector<128x512xi1>
      %jit3A_232 = arith.constant 1.000000e+00 : f32
      %jit3A_233 = arith.constant 0.000000e+00 : f32
      %broadcast_in_dim3A_234 = vector.broadcast %jit3A_232 : f32 to vector<128x512xf32>
      %broadcast_in_dim3A_235 = vector.broadcast %jit3A_233 : f32 to vector<128x512xf32>
      %select_n3A_236 = arith.select %and3A_231, %broadcast_in_dim3A_234, %broadcast_in_dim3A_235 : vector<128x512xi1>, vector<128x512xf32>
      %broadcast_in_dim3A_237 = vector.shape_cast %get3A_222 : vector<1x512xf32> to vector<1x512xf32>
      %broadcast_in_dim3A_238 = vector.broadcast %broadcast_in_dim3A_237 : vector<1x512xf32> to vector<128x512xf32>
      %broadcast_in_dim3A_239 = vector.broadcast %while3A : f32 to vector<128x512xf32>
      %select_n3A_240 = arith.select %and3A_231, %broadcast_in_dim3A_238, %broadcast_in_dim3A_239 : vector<128x512xi1>, vector<128x512xf32>
      %reduce_max3A_241 = arith.constant dense<0xFF800000> : vector<128xf32>
      %reduce_max3A_242 = vector.multi_reduction <maximumf>, %select_n3A_240, %reduce_max3A_241 [1] : vector<128x512xf32> to vector<128xf32>
      %broadcast_in_dim3A_243 = vector.shape_cast %reduce_max3A_242 : vector<128xf32> to vector<128x1xf32>
      %max3A_244 = arith.maximumf %max3A_166, %broadcast_in_dim3A_243 : vector<128x1xf32>
      %broadcast_in_dim3A_245 = vector.shape_cast %max3A_244 : vector<128x1xf32> to vector<128x1xf32>
      %broadcast_in_dim3A_246 = vector.broadcast %broadcast_in_dim3A_245 : vector<128x1xf32> to vector<128x512xf32>
      %broadcast_in_dim3A_247 = vector.broadcast %while3A : f32 to vector<128x512xf32>
      %select_n3A_248 = arith.select %and3A_231, %broadcast_in_dim3A_246, %broadcast_in_dim3A_247 : vector<128x512xi1>, vector<128x512xf32>
      %reduce_max3A_249 = arith.constant dense<0xFF800000> : vector<512xf32>
      %reduce_max3A_250 = vector.multi_reduction <maximumf>, %select_n3A_248, %reduce_max3A_249 [0] : vector<128x512xf32> to vector<512xf32>
      %broadcast_in_dim3A_251 = vector.shape_cast %reduce_max3A_250 : vector<512xf32> to vector<1x512xf32>
      %ge3A_252 = vector.broadcast %mul3A_0 : i32 to vector<1x512xi32>
      %ge3A_253 = arith.cmpi sge, %get3A_225, %ge3A_252 : vector<1x512xi32>
      %add3A_254 = arith.constant 128 : i32
      %add3A_255 = arith.addi %mul3A_0, %add3A_254 : i32
      %lt3A_256 = vector.broadcast %add3A_255 : i32 to vector<1x512xi32>
      %lt3A_257 = arith.cmpi slt, %get3A_225, %lt3A_256 : vector<1x512xi32>
      %and3A_258 = arith.andi %ge3A_253, %lt3A_257 : vector<1x512xi1>
      %lt3A_259 = arith.cmpi slt, %add3A_211, %select_n3A_47 : i32
      %and3A_260 = vector.broadcast %lt3A_259 : i1 to vector<1x512xi1>
      %and3A_261 = arith.andi %and3A_258, %and3A_260 : vector<1x512xi1>
      %sub3A_262 = arith.subf %get3A_222, %broadcast_in_dim3A_251 : vector<1x512xf32>
      %jit3A_263 = arith.constant 0.000000e+00 : f32
      %broadcast_in_dim3A_264 = vector.broadcast %jit3A_263 : f32 to vector<1x512xf32>
      %select_n3A_265 = arith.select %and3A_261, %sub3A_262, %broadcast_in_dim3A_264 : vector<1x512xi1>, vector<1x512xf32>
      %exp3A_266 = math.exp %select_n3A_265 : vector<1x512xf32>
      %mul3A_267 = vector.broadcast %exp3A_266 : vector<1x512xf32> to vector<128x512xf32>
      %mul3A_268 = arith.mulf %select_n3A_236, %mul3A_267 : vector<128x512xf32>
      %sub3A_269 = arith.subf %max3A_166, %max3A_244 : vector<128x1xf32>
      %exp3A_270 = math.exp %sub3A_269 : vector<128x1xf32>
      %mul3A_271 = arith.mulf %add3A_194, %exp3A_270 : vector<128x1xf32>
      %reduce_sum3A_272 = arith.constant dense<0.000000e+00> : vector<128xf32>
      %reduce_sum3A_273 = vector.multi_reduction <add>, %mul3A_268, %reduce_sum3A_272 [1] : vector<128x512xf32> to vector<128xf32>
      %broadcast_in_dim3A_274 = vector.shape_cast %reduce_sum3A_273 : vector<128xf32> to vector<128x1xf32>
      %add3A_275 = arith.addf %mul3A_271, %broadcast_in_dim3A_274 : vector<128x1xf32>
      %mul3A_276 = vector.broadcast %exp3A_270 : vector<128x1xf32> to vector<128x128xf32>
      %mul3A_277 = arith.mulf %add3A_201, %mul3A_276 : vector<128x128xf32>
      %get3A_278 = arith.constant 0 : index
      %get3A_279 = arith.constant 0 : index
      %get3A_280 = vector.load %arg8[%get3A_278, %get3A_279] : memref<512x128xf32, #tpu.memory_space<vmem>>, vector<512x128xf32>
      %dot_general3A_281 = arith.constant dense<0.000000e+00> : vector<128x128xf32>
      %dot_general3A_282 = tpu.matmul %mul3A_268, %get3A_280, %dot_general3A_281 {dimension_numbers = #tpu.dot_dimension_numbers<[1], [0], [0], [1], [0, 0, 1, 1], [], []>, transpose_lhs_hint = false} : vector<128x512xf32>, vector<512x128xf32>, vector<128x128xf32> -> vector<128x128xf32>
      %add3A_283 = arith.addf %mul3A_277, %dot_general3A_282 : vector<128x128xf32>
      %add3A_284 = arith.constant 2 : i32
      %add3A_285 = arith.addi %add3A_211, %add3A_284 : i32
      %min3A_286 = arith.constant 624 : i32
      %min3A_287 = arith.minsi %add3A_285, %min3A_286 : i32
      %mul3A_288 = arith.constant 512 : i32
      %mul3A_289 = arith.muli %min3A_287, %mul3A_288 : i32
      %dma_start3A_290 = arith.constant 0 : i32
      %dma_start3A_291 = tpu.memref_slice %arg5[%mul3A_289, %dma_start3A_290] : memref<320000x128xf32, #tpu.memory_space<any>> -> memref<512x128xf32, #tpu.memory_space<any>>
      tpu.enqueue_dma source(%dma_start3A_291 : memref<512x128xf32, #tpu.memory_space<any>>) target(%arg8 : memref<512x128xf32, #tpu.memory_space<vmem>>) target_semaphore(%arg10 : memref<!tpu.dma_semaphore, #tpu.memory_space<semaphore_mem>>)
      scf.yield %max3A_244, %add3A_275, %add3A_283 : vector<128x1xf32>, vector<128x1xf32>, vector<128x128xf32>
    }
    %while3A_103 = arith.constant 1 : i32
    %while3A_104:3 = scf.for %while3A_130 = %while3A_100 to %while3A_96 step %while3A_103 iter_args(%while3A_131 = %while3A_102#0, %while3A_132 = %while3A_102#1, %while3A_133 = %while3A_102#2) -> (vector<128x1xf32>, vector<128x1xf32>, vector<128x128xf32>)  : i32 {
      %mul3A_134 = arith.constant 2 : i32
      %mul3A_135 = arith.muli %mul3A_134, %while3A_130 : i32
      %add3A_136 = arith.addi %select_n3A, %mul3A_135 : i32
      %min3A_137 = arith.constant 624 : i32
      %min3A_138 = arith.minsi %add3A_136, %min3A_137 : i32
      %mul3A_139 = arith.constant 512 : i32
      %mul3A_140 = arith.muli %min3A_138, %mul3A_139 : i32
      %dma_wait3A_141 = arith.constant 0 : i32
      %dma_wait3A_142 = tpu.memref_slice %arg5[%mul3A_140, %dma_wait3A_141] : memref<320000x128xf32, #tpu.memory_space<any>> -> memref<512x128xf32, #tpu.memory_space<any>>
      tpu.wait_dma2 semaphore(%arg9 : memref<!tpu.dma_semaphore, #tpu.memory_space<semaphore_mem>>) src(%dma_wait3A_142 : memref<512x128xf32, #tpu.memory_space<any>>) dst(%arg7 : memref<512x128xf32, #tpu.memory_space<vmem>>)
      %min3A_143 = arith.constant 624 : i32
      %min3A_144 = arith.minsi %add3A_136, %min3A_143 : i32
      %get3A_145 = arith.index_cast %min3A_144 : i32 to index
      %get3A_146 = arith.constant 0 : index
      %get3A_147 = vector.load %arg3[%get3A_145, %get3A_146] : memref<625x512xf32, #tpu.memory_space<vmem>>, vector<1x512xf32>
      %get3A_148 = arith.index_cast %min3A_144 : i32 to index
      %get3A_149 = arith.constant 0 : index
      %get3A_150 = vector.load %arg4[%get3A_148, %get3A_149] : memref<625x512xi32, #tpu.memory_space<vmem>>, vector<1x512xi32>
      %eq3A = vector.broadcast %get3A_150 : vector<1x512xi32> to vector<128x512xi32>
      %eq3A_151 = vector.broadcast %add3A_49 : vector<128x1xi32> to vector<128x512xi32>
      %eq3A_152 = arith.cmpi eq, %eq3A, %eq3A_151 : vector<128x512xi32>
      %lt3A = arith.cmpi slt, %add3A_136, %select_n3A_47 : i32
      %and3A_153 = vector.broadcast %lt3A : i1 to vector<128x512xi1>
      %and3A_154 = arith.andi %eq3A_152, %and3A_153 : vector<128x512xi1>
      %jit3A_155 = arith.constant 1.000000e+00 : f32
      %jit3A_156 = arith.constant 0.000000e+00 : f32
      %broadcast_in_dim3A_157 = vector.broadcast %jit3A_155 : f32 to vector<128x512xf32>
      %broadcast_in_dim3A_158 = vector.broadcast %jit3A_156 : f32 to vector<128x512xf32>
      %select_n3A_159 = arith.select %and3A_154, %broadcast_in_dim3A_157, %broadcast_in_dim3A_158 : vector<128x512xi1>, vector<128x512xf32>
      %broadcast_in_dim3A_160 = vector.shape_cast %get3A_147 : vector<1x512xf32> to vector<1x512xf32>
      %broadcast_in_dim3A_161 = vector.broadcast %broadcast_in_dim3A_160 : vector<1x512xf32> to vector<128x512xf32>
      %broadcast_in_dim3A_162 = vector.broadcast %while3A : f32 to vector<128x512xf32>
      %select_n3A_163 = arith.select %and3A_154, %broadcast_in_dim3A_161, %broadcast_in_dim3A_162 : vector<128x512xi1>, vector<128x512xf32>
      %reduce_max3A = arith.constant dense<0xFF800000> : vector<128xf32>
      %reduce_max3A_164 = vector.multi_reduction <maximumf>, %select_n3A_163, %reduce_max3A [1] : vector<128x512xf32> to vector<128xf32>
      %broadcast_in_dim3A_165 = vector.shape_cast %reduce_max3A_164 : vector<128xf32> to vector<128x1xf32>
      %max3A_166 = arith.maximumf %while3A_131, %broadcast_in_dim3A_165 : vector<128x1xf32>
      %broadcast_in_dim3A_167 = vector.shape_cast %max3A_166 : vector<128x1xf32> to vector<128x1xf32>
      %broadcast_in_dim3A_168 = vector.broadcast %broadcast_in_dim3A_167 : vector<128x1xf32> to vector<128x512xf32>
      %broadcast_in_dim3A_169 = vector.broadcast %while3A : f32 to vector<128x512xf32>
      %select_n3A_170 = arith.select %and3A_154, %broadcast_in_dim3A_168, %broadcast_in_dim3A_169 : vector<128x512xi1>, vector<128x512xf32>
      %reduce_max3A_171 = arith.constant dense<0xFF800000> : vector<512xf32>
      %reduce_max3A_172 = vector.multi_reduction <maximumf>, %select_n3A_170, %reduce_max3A_171 [0] : vector<128x512xf32> to vector<512xf32>
      %broadcast_in_dim3A_173 = vector.shape_cast %reduce_max3A_172 : vector<512xf32> to vector<1x512xf32>
      %ge3A = vector.broadcast %mul3A_0 : i32 to vector<1x512xi32>
      %ge3A_174 = arith.cmpi sge, %get3A_150, %ge3A : vector<1x512xi32>
      %add3A_175 = arith.constant 128 : i32
      %add3A_176 = arith.addi %mul3A_0, %add3A_175 : i32
      %lt3A_177 = vector.broadcast %add3A_176 : i32 to vector<1x512xi32>
      %lt3A_178 = arith.cmpi slt, %get3A_150, %lt3A_177 : vector<1x512xi32>
      %and3A_179 = arith.andi %ge3A_174, %lt3A_178 : vector<1x512xi1>
      %lt3A_180 = arith.cmpi slt, %add3A_136, %select_n3A_47 : i32
      %and3A_181 = vector.broadcast %lt3A_180 : i1 to vector<1x512xi1>
      %and3A_182 = arith.andi %and3A_179, %and3A_181 : vector<1x512xi1>
      %sub3A_183 = arith.subf %get3A_147, %broadcast_in_dim3A_173 : vector<1x512xf32>
      %jit3A_184 = arith.constant 0.000000e+00 : f32
      %broadcast_in_dim3A_185 = vector.broadcast %jit3A_184 : f32 to vector<1x512xf32>
      %select_n3A_186 = arith.select %and3A_182, %sub3A_183, %broadcast_in_dim3A_185 : vector<1x512xi1>, vector<1x512xf32>
      %exp3A = math.exp %select_n3A_186 : vector<1x512xf32>
      %mul3A_187 = vector.broadcast %exp3A : vector<1x512xf32> to vector<128x512xf32>
      %mul3A_188 = arith.mulf %select_n3A_159, %mul3A_187 : vector<128x512xf32>
      %sub3A_189 = arith.subf %while3A_131, %max3A_166 : vector<128x1xf32>
      %exp3A_190 = math.exp %sub3A_189 : vector<128x1xf32>
      %mul3A_191 = arith.mulf %while3A_132, %exp3A_190 : vector<128x1xf32>
      %reduce_sum3A = arith.constant dense<0.000000e+00> : vector<128xf32>
      %reduce_sum3A_192 = vector.multi_reduction <add>, %mul3A_188, %reduce_sum3A [1] : vector<128x512xf32> to vector<128xf32>
      %broadcast_in_dim3A_193 = vector.shape_cast %reduce_sum3A_192 : vector<128xf32> to vector<128x1xf32>
      %add3A_194 = arith.addf %mul3A_191, %broadcast_in_dim3A_193 : vector<128x1xf32>
      %mul3A_195 = vector.broadcast %exp3A_190 : vector<128x1xf32> to vector<128x128xf32>
      %mul3A_196 = arith.mulf %while3A_133, %mul3A_195 : vector<128x128xf32>
      %get3A_197 = arith.constant 0 : index
      %get3A_198 = arith.constant 0 : index
      %get3A_199 = vector.load %arg7[%get3A_197, %get3A_198] : memref<512x128xf32, #tpu.memory_space<vmem>>, vector<512x128xf32>
      %dot_general3A = arith.constant dense<0.000000e+00> : vector<128x128xf32>
      %dot_general3A_200 = tpu.matmul %mul3A_188, %get3A_199, %dot_general3A {dimension_numbers = #tpu.dot_dimension_numbers<[1], [0], [0], [1], [0, 0, 1, 1], [], []>, transpose_lhs_hint = false} : vector<128x512xf32>, vector<512x128xf32>, vector<128x128xf32> -> vector<128x128xf32>
      %add3A_201 = arith.addf %mul3A_196, %dot_general3A_200 : vector<128x128xf32>
      %add3A_202 = arith.constant 2 : i32
      %add3A_203 = arith.addi %add3A_136, %add3A_202 : i32
      %min3A_204 = arith.constant 624 : i32
      %min3A_205 = arith.minsi %add3A_203, %min3A_204 : i32
      %mul3A_206 = arith.constant 512 : i32
      %mul3A_207 = arith.muli %min3A_205, %mul3A_206 : i32
      %dma_start3A_208 = arith.constant 0 : i32
      %dma_start3A_209 = tpu.memref_slice %arg5[%mul3A_207, %dma_start3A_208] : memref<320000x128xf32, #tpu.memory_space<any>> -> memref<512x128xf32, #tpu.memory_space<any>>
      tpu.enqueue_dma source(%dma_start3A_209 : memref<512x128xf32, #tpu.memory_space<any>>) target(%arg7 : memref<512x128xf32, #tpu.memory_space<vmem>>) target_semaphore(%arg9 : memref<!tpu.dma_semaphore, #tpu.memory_space<semaphore_mem>>)
      %add3A_210 = arith.constant 1 : i32
      %add3A_211 = arith.addi %add3A_136, %add3A_210 : i32
      %min3A_212 = arith.constant 624 : i32
      %min3A_213 = arith.minsi %add3A_211, %min3A_212 : i32
      %mul3A_214 = arith.constant 512 : i32
      %mul3A_215 = arith.muli %min3A_213, %mul3A_214 : i32
      %dma_wait3A_216 = arith.constant 0 : i32
      %dma_wait3A_217 = tpu.memref_slice %arg5[%mul3A_215, %dma_wait3A_216] : memref<320000x128xf32, #tpu.memory_space<any>> -> memref<512x128xf32, #tpu.memory_space<any>>
      tpu.wait_dma2 semaphore(%arg10 : memref<!tpu.dma_semaphore, #tpu.memory_space<semaphore_mem>>) src(%dma_wait3A_217 : memref<512x128xf32, #tpu.memory_space<any>>) dst(%arg8 : memref<512x128xf32, #tpu.memory_space<vmem>>)
      %min3A_218 = arith.constant 624 : i32
      %min3A_219 = arith.minsi %add3A_211, %min3A_218 : i32
      %get3A_220 = arith.index_cast %min3A_219 : i32 to index
      %get3A_221 = arith.constant 0 : index
      %get3A_222 = vector.load %arg3[%get3A_220, %get3A_221] : memref<625x512xf32, #tpu.memory_space<vmem>>, vector<1x512xf32>
      %get3A_223 = arith.index_cast %min3A_219 : i32 to index
      %get3A_224 = arith.constant 0 : index
      %get3A_225 = vector.load %arg4[%get3A_223, %get3A_224] : memref<625x512xi32, #tpu.memory_space<vmem>>, vector<1x512xi32>
      %eq3A_226 = vector.broadcast %get3A_225 : vector<1x512xi32> to vector<128x512xi32>
      %eq3A_227 = vector.broadcast %add3A_49 : vector<128x1xi32> to vector<128x512xi32>
      %eq3A_228 = arith.cmpi eq, %eq3A_226, %eq3A_227 : vector<128x512xi32>
      %lt3A_229 = arith.cmpi slt, %add3A_211, %select_n3A_47 : i32
      %and3A_230 = vector.broadcast %lt3A_229 : i1 to vector<128x512xi1>
      %and3A_231 = arith.andi %eq3A_228, %and3A_230 : vector<128x512xi1>
      %jit3A_232 = arith.constant 1.000000e+00 : f32
      %jit3A_233 = arith.constant 0.000000e+00 : f32
      %broadcast_in_dim3A_234 = vector.broadcast %jit3A_232 : f32 to vector<128x512xf32>
      %broadcast_in_dim3A_235 = vector.broadcast %jit3A_233 : f32 to vector<128x512xf32>
      %select_n3A_236 = arith.select %and3A_231, %broadcast_in_dim3A_234, %broadcast_in_dim3A_235 : vector<128x512xi1>, vector<128x512xf32>
      %broadcast_in_dim3A_237 = vector.shape_cast %get3A_222 : vector<1x512xf32> to vector<1x512xf32>
      %broadcast_in_dim3A_238 = vector.broadcast %broadcast_in_dim3A_237 : vector<1x512xf32> to vector<128x512xf32>
      %broadcast_in_dim3A_239 = vector.broadcast %while3A : f32 to vector<128x512xf32>
      %select_n3A_240 = arith.select %and3A_231, %broadcast_in_dim3A_238, %broadcast_in_dim3A_239 : vector<128x512xi1>, vector<128x512xf32>
      %reduce_max3A_241 = arith.constant dense<0xFF800000> : vector<128xf32>
      %reduce_max3A_242 = vector.multi_reduction <maximumf>, %select_n3A_240, %reduce_max3A_241 [1] : vector<128x512xf32> to vector<128xf32>
      %broadcast_in_dim3A_243 = vector.shape_cast %reduce_max3A_242 : vector<128xf32> to vector<128x1xf32>
      %max3A_244 = arith.maximumf %max3A_166, %broadcast_in_dim3A_243 : vector<128x1xf32>
      %broadcast_in_dim3A_245 = vector.shape_cast %max3A_244 : vector<128x1xf32> to vector<128x1xf32>
      %broadcast_in_dim3A_246 = vector.broadcast %broadcast_in_dim3A_245 : vector<128x1xf32> to vector<128x512xf32>
      %broadcast_in_dim3A_247 = vector.broadcast %while3A : f32 to vector<128x512xf32>
      %select_n3A_248 = arith.select %and3A_231, %broadcast_in_dim3A_246, %broadcast_in_dim3A_247 : vector<128x512xi1>, vector<128x512xf32>
      %reduce_max3A_249 = arith.constant dense<0xFF800000> : vector<512xf32>
      %reduce_max3A_250 = vector.multi_reduction <maximumf>, %select_n3A_248, %reduce_max3A_249 [0] : vector<128x512xf32> to vector<512xf32>
      %broadcast_in_dim3A_251 = vector.shape_cast %reduce_max3A_250 : vector<512xf32> to vector<1x512xf32>
      %ge3A_252 = vector.broadcast %mul3A_0 : i32 to vector<1x512xi32>
      %ge3A_253 = arith.cmpi sge, %get3A_225, %ge3A_252 : vector<1x512xi32>
      %add3A_254 = arith.constant 128 : i32
      %add3A_255 = arith.addi %mul3A_0, %add3A_254 : i32
      %lt3A_256 = vector.broadcast %add3A_255 : i32 to vector<1x512xi32>
      %lt3A_257 = arith.cmpi slt, %get3A_225, %lt3A_256 : vector<1x512xi32>
      %and3A_258 = arith.andi %ge3A_253, %lt3A_257 : vector<1x512xi1>
      %lt3A_259 = arith.cmpi slt, %add3A_211, %select_n3A_47 : i32
      %and3A_260 = vector.broadcast %lt3A_259 : i1 to vector<1x512xi1>
      %and3A_261 = arith.andi %and3A_258, %and3A_260 : vector<1x512xi1>
      %sub3A_262 = arith.subf %get3A_222, %broadcast_in_dim3A_251 : vector<1x512xf32>
      %jit3A_263 = arith.constant 0.000000e+00 : f32
      %broadcast_in_dim3A_264 = vector.broadcast %jit3A_263 : f32 to vector<1x512xf32>
      %select_n3A_265 = arith.select %and3A_261, %sub3A_262, %broadcast_in_dim3A_264 : vector<1x512xi1>, vector<1x512xf32>
      %exp3A_266 = math.exp %select_n3A_265 : vector<1x512xf32>
      %mul3A_267 = vector.broadcast %exp3A_266 : vector<1x512xf32> to vector<128x512xf32>
      %mul3A_268 = arith.mulf %select_n3A_236, %mul3A_267 : vector<128x512xf32>
      %sub3A_269 = arith.subf %max3A_166, %max3A_244 : vector<128x1xf32>
      %exp3A_270 = math.exp %sub3A_269 : vector<128x1xf32>
      %mul3A_271 = arith.mulf %add3A_194, %exp3A_270 : vector<128x1xf32>
      %reduce_sum3A_272 = arith.constant dense<0.000000e+00> : vector<128xf32>
      %reduce_sum3A_273 = vector.multi_reduction <add>, %mul3A_268, %reduce_sum3A_272 [1] : vector<128x512xf32> to vector<128xf32>
      %broadcast_in_dim3A_274 = vector.shape_cast %reduce_sum3A_273 : vector<128xf32> to vector<128x1xf32>
      %add3A_275 = arith.addf %mul3A_271, %broadcast_in_dim3A_274 : vector<128x1xf32>
      %mul3A_276 = vector.broadcast %exp3A_270 : vector<128x1xf32> to vector<128x128xf32>
      %mul3A_277 = arith.mulf %add3A_201, %mul3A_276 : vector<128x128xf32>
      %get3A_278 = arith.constant 0 : index
      %get3A_279 = arith.constant 0 : index
      %get3A_280 = vector.load %arg8[%get3A_278, %get3A_279] : memref<512x128xf32, #tpu.memory_space<vmem>>, vector<512x128xf32>
      %dot_general3A_281 = arith.constant dense<0.000000e+00> : vector<128x128xf32>
      %dot_general3A_282 = tpu.matmul %mul3A_268, %get3A_280, %dot_general3A_281 {dimension_numbers = #tpu.dot_dimension_numbers<[1], [0], [0], [1], [0, 0, 1, 1], [], []>, transpose_lhs_hint = false} : vector<128x512xf32>, vector<512x128xf32>, vector<128x128xf32> -> vector<128x128xf32>
      %add3A_283 = arith.addf %mul3A_277, %dot_general3A_282 : vector<128x128xf32>
      %add3A_284 = arith.constant 2 : i32
      %add3A_285 = arith.addi %add3A_211, %add3A_284 : i32
      %min3A_286 = arith.constant 624 : i32
      %min3A_287 = arith.minsi %add3A_285, %min3A_286 : i32
      %mul3A_288 = arith.constant 512 : i32
      %mul3A_289 = arith.muli %min3A_287, %mul3A_288 : i32
      %dma_start3A_290 = arith.constant 0 : i32
      %dma_start3A_291 = tpu.memref_slice %arg5[%mul3A_289, %dma_start3A_290] : memref<320000x128xf32, #tpu.memory_space<any>> -> memref<512x128xf32, #tpu.memory_space<any>>
      tpu.enqueue_dma source(%dma_start3A_291 : memref<512x128xf32, #tpu.memory_space<any>>) target(%arg8 : memref<512x128xf32, #tpu.memory_space<vmem>>) target_semaphore(%arg10 : memref<!tpu.dma_semaphore, #tpu.memory_space<semaphore_mem>>)
      scf.yield %max3A_244, %add3A_275, %add3A_283 : vector<128x1xf32>, vector<128x1xf32>, vector<128x128xf32>
    }
    %mul3A_105 = arith.constant 2 : i32
    %mul3A_106 = arith.muli %mul3A_105, %select_n3A_88 : i32
    %add3A_107 = arith.addi %select_n3A, %mul3A_106 : i32
    %min3A_108 = arith.constant 624 : i32
    %min3A_109 = arith.minsi %add3A_107, %min3A_108 : i32
    %mul3A_110 = arith.constant 512 : i32
    %mul3A_111 = arith.muli %min3A_109, %mul3A_110 : i32
    %dma_wait3A = arith.constant 0 : i32
    %dma_wait3A_112 = tpu.memref_slice %arg5[%mul3A_111, %dma_wait3A] : memref<320000x128xf32, #tpu.memory_space<any>> -> memref<512x128xf32, #tpu.memory_space<any>>
    tpu.wait_dma2 semaphore(%arg9 : memref<!tpu.dma_semaphore, #tpu.memory_space<semaphore_mem>>) src(%dma_wait3A_112 : memref<512x128xf32, #tpu.memory_space<any>>) dst(%arg7 : memref<512x128xf32, #tpu.memory_space<vmem>>)
    %mul3A_113 = arith.constant 2 : i32
    %mul3A_114 = arith.muli %mul3A_113, %select_n3A_88 : i32
    %add3A_115 = arith.addi %select_n3A, %mul3A_114 : i32
    %add3A_116 = arith.constant 1 : i32
    %add3A_117 = arith.addi %add3A_115, %add3A_116 : i32
    %min3A_118 = arith.constant 624 : i32
    %min3A_119 = arith.minsi %add3A_117, %min3A_118 : i32
    %mul3A_120 = arith.constant 512 : i32
    %mul3A_121 = arith.muli %min3A_119, %mul3A_120 : i32
    %dma_wait3A_122 = arith.constant 0 : i32
    %dma_wait3A_123 = tpu.memref_slice %arg5[%mul3A_121, %dma_wait3A_122] : memref<320000x128xf32, #tpu.memory_space<any>> -> memref<512x128xf32, #tpu.memory_space<any>>
    tpu.wait_dma2 semaphore(%arg10 : memref<!tpu.dma_semaphore, #tpu.memory_space<semaphore_mem>>) src(%dma_wait3A_123 : memref<512x128xf32, #tpu.memory_space<any>>) dst(%arg8 : memref<512x128xf32, #tpu.memory_space<vmem>>)
    %max3A = arith.constant 1.000000e-30 : f32
    %max3A_124 = vector.broadcast %max3A : f32 to vector<128x1xf32>
    %max3A_125 = arith.maximumf %while3A_104#1, %max3A_124 : vector<128x1xf32>
    %div3A_126 = vector.broadcast %max3A_125 : vector<128x1xf32> to vector<128x128xf32>
    %div3A_127 = arith.divf %while3A_104#2, %div3A_126 : vector<128x128xf32>
    %swap3A = arith.constant 0 : index
    %swap3A_128 = arith.constant 0 : index
    %swap3A_129 = vector.load %arg6[%swap3A, %swap3A_128] : memref<128x128xf32, #tpu.memory_space<vmem>>, vector<128x128xf32>
    tpu.vector_store %arg6[%swap3A, %swap3A_128], %div3A_127 {strides = array<i32>} : memref<128x128xf32, #tpu.memory_space<vmem>>, vector<128x128xf32>,
    return
  }
  func.func @transform_0(%arg0: i32, %arg1: memref<79xi32, #tpu.memory_space<smem>>, %arg2: memref<79xi32, #tpu.memory_space<smem>>) -> (i32, i32) {
    %c0_i32 = arith.constant 0 : i32
    %c0_i32_0 = arith.constant 0 : i32
    %c0_i32_1 = arith.constant 0 : i32
    return %c0_i32, %c0_i32_0 : i32, i32
  }
  func.func @transform_1(%arg0: i32, %arg1: memref<79xi32, #tpu.memory_space<smem>>, %arg2: memref<79xi32, #tpu.memory_space<smem>>) -> (i32, i32) {
    %c0_i32 = arith.constant 0 : i32
    %c0_i32_0 = arith.constant 0 : i32
    %c0_i32_1 = arith.constant 0 : i32
    return %c0_i32, %c0_i32_0 : i32, i32
  }
  func.func @transform_3(%arg0: i32, %arg1: memref<79xi32, #tpu.memory_space<smem>>, %arg2: memref<79xi32, #tpu.memory_space<smem>>) -> (i32, i32) {
    %c0_i32 = arith.constant 0 : i32
    %c0_i32_0 = arith.constant 0 : i32
    return %arg0, %c0_i32 : i32, i32
  }
}

module attributes {stable_mosaic.version = 14 : i64} {
  func.func @_upd_body(%arg0: i32, %arg1: memref<1000x128xf32, #tpu.memory_space<vmem>>, %arg2: memref<1000x128xf32, #tpu.memory_space<vmem>>, %arg3: memref<128x128xf32, #tpu.memory_space<vmem>>, %arg4: memref<128x128xf32, #tpu.memory_space<vmem>>, %arg5: memref<1x128xf32, #tpu.memory_space<vmem>>, %arg6: memref<128x128xf32, #tpu.memory_space<vmem>>, %arg7: memref<1x128xf32, #tpu.memory_space<vmem>>, %arg8: memref<1000x128xf32, #tpu.memory_space<vmem>>) attributes {dimension_semantics = [#tpu.dimension_semantics<arbitrary>], iteration_bounds = array<i64: 10>, scalar_prefetch = 0 : i64, scratch_operands = 0 : i64, tpu.core_type = #tpu.core_type<tc>, window_params = [{transform_indices = @transform_0, window_bounds = array<i64: 1000, 128>}, {transform_indices = @transform_1, window_bounds = array<i64: 1000, 128>}, {pipeline_mode = #tpu.pipeline_mode<synchronous>, transform_indices = @transform_2, window_bounds = array<i64: 128, 128>}, {pipeline_mode = #tpu.pipeline_mode<synchronous>, transform_indices = @transform_3, window_bounds = array<i64: 128, 128>}, {pipeline_mode = #tpu.pipeline_mode<synchronous>, transform_indices = @transform_4, window_bounds = array<i64: 1, 128>}, {pipeline_mode = #tpu.pipeline_mode<synchronous>, transform_indices = @transform_5, window_bounds = array<i64: 128, 128>}, {pipeline_mode = #tpu.pipeline_mode<synchronous>, transform_indices = @transform_6, window_bounds = array<i64: 1, 128>}, {transform_indices = @transform_7, window_bounds = array<i64: 1000, 128>}]} {
    %get3A = arith.constant 0 : index
    %get3A_0 = arith.constant 0 : index
    %get3A_1 = vector.load %arg1[%get3A, %get3A_0] : memref<1000x128xf32, #tpu.memory_space<vmem>>, vector<1000x128xf32>
    %get3A_2 = arith.constant 0 : index
    %get3A_3 = arith.constant 0 : index
    %get3A_4 = vector.load %arg3[%get3A_2, %get3A_3] : memref<128x128xf32, #tpu.memory_space<vmem>>, vector<128x128xf32>
    %dot_general3A = arith.constant dense<0.000000e+00> : vector<1000x128xf32>
    %dot_general3A_5 = tpu.matmul %get3A_1, %get3A_4, %dot_general3A {dimension_numbers = #tpu.dot_dimension_numbers<[1], [0], [0], [1], [0, 0, 1, 1], [], []>, transpose_lhs_hint = false} : vector<1000x128xf32>, vector<128x128xf32>, vector<1000x128xf32> -> vector<1000x128xf32>
    %get3A_6 = arith.constant 0 : index
    %get3A_7 = arith.constant 0 : index
    %get3A_8 = vector.load %arg2[%get3A_6, %get3A_7] : memref<1000x128xf32, #tpu.memory_space<vmem>>, vector<1000x128xf32>
    %get3A_9 = arith.constant 0 : index
    %get3A_10 = arith.constant 0 : index
    %get3A_11 = vector.load %arg4[%get3A_9, %get3A_10] : memref<128x128xf32, #tpu.memory_space<vmem>>, vector<128x128xf32>
    %dot_general3A_12 = arith.constant dense<0.000000e+00> : vector<1000x128xf32>
    %dot_general3A_13 = tpu.matmul %get3A_8, %get3A_11, %dot_general3A_12 {dimension_numbers = #tpu.dot_dimension_numbers<[1], [0], [0], [1], [0, 0, 1, 1], [], []>, transpose_lhs_hint = false} : vector<1000x128xf32>, vector<128x128xf32>, vector<1000x128xf32> -> vector<1000x128xf32>
    %add3A = arith.addf %dot_general3A_5, %dot_general3A_13 : vector<1000x128xf32>
    %get3A_14 = arith.constant 0 : index
    %get3A_15 = arith.constant 0 : index
    %get3A_16 = vector.load %arg5[%get3A_14, %get3A_15] : memref<1x128xf32, #tpu.memory_space<vmem>>, vector<1x128xf32>
    %add3A_17 = vector.broadcast %get3A_16 : vector<1x128xf32> to vector<1000x128xf32>
    %add3A_18 = arith.addf %add3A, %add3A_17 : vector<1000x128xf32>
    %max3A = arith.constant 0.000000e+00 : f32
    %max3A_19 = vector.broadcast %max3A : f32 to vector<1000x128xf32>
    %max3A_20 = arith.maximumf %add3A_18, %max3A_19 : vector<1000x128xf32>
    %get3A_21 = arith.constant 0 : index
    %get3A_22 = arith.constant 0 : index
    %get3A_23 = vector.load %arg6[%get3A_21, %get3A_22] : memref<128x128xf32, #tpu.memory_space<vmem>>, vector<128x128xf32>
    %dot_general3A_24 = arith.constant dense<0.000000e+00> : vector<1000x128xf32>
    %dot_general3A_25 = tpu.matmul %max3A_20, %get3A_23, %dot_general3A_24 {dimension_numbers = #tpu.dot_dimension_numbers<[1], [0], [0], [1], [0, 0, 1, 1], [], []>, transpose_lhs_hint = false} : vector<1000x128xf32>, vector<128x128xf32>, vector<1000x128xf32> -> vector<1000x128xf32>
    %get3A_26 = arith.constant 0 : index
    %get3A_27 = arith.constant 0 : index
    %get3A_28 = vector.load %arg7[%get3A_26, %get3A_27] : memref<1x128xf32, #tpu.memory_space<vmem>>, vector<1x128xf32>
    %add3A_29 = vector.broadcast %get3A_28 : vector<1x128xf32> to vector<1000x128xf32>
    %add3A_30 = arith.addf %dot_general3A_25, %add3A_29 : vector<1000x128xf32>
    %swap3A = arith.constant 0 : index
    %swap3A_31 = arith.constant 0 : index
    %swap3A_32 = vector.load %arg8[%swap3A, %swap3A_31] : memref<1000x128xf32, #tpu.memory_space<vmem>>, vector<1000x128xf32>
    tpu.vector_store %arg8[%swap3A, %swap3A_31], %add3A_30 {strides = array<i32>} : memref<1000x128xf32, #tpu.memory_space<vmem>>, vector<1000x128xf32>,
    return
  }
  func.func @transform_0(%arg0: i32) -> (i32, i32) {
    %c0_i32 = arith.constant 0 : i32
    %c0_i32_0 = arith.constant 0 : i32
    return %arg0, %c0_i32 : i32, i32
  }
  func.func @transform_1(%arg0: i32) -> (i32, i32) {
    %c0_i32 = arith.constant 0 : i32
    %c0_i32_0 = arith.constant 0 : i32
    return %arg0, %c0_i32 : i32, i32
  }
  func.func @transform_2(%arg0: i32) -> (i32, i32) {
    %c0_i32 = arith.constant 0 : i32
    %c0_i32_0 = arith.constant 0 : i32
    %c0_i32_1 = arith.constant 0 : i32
    return %c0_i32, %c0_i32_0 : i32, i32
  }
  func.func @transform_3(%arg0: i32) -> (i32, i32) {
    %c0_i32 = arith.constant 0 : i32
    %c0_i32_0 = arith.constant 0 : i32
    %c0_i32_1 = arith.constant 0 : i32
    return %c0_i32, %c0_i32_0 : i32, i32
  }
  func.func @transform_4(%arg0: i32) -> (i32, i32) {
    %c0_i32 = arith.constant 0 : i32
    %c0_i32_0 = arith.constant 0 : i32
    %c0_i32_1 = arith.constant 0 : i32
    return %c0_i32, %c0_i32_0 : i32, i32
  }
  func.func @transform_5(%arg0: i32) -> (i32, i32) {
    %c0_i32 = arith.constant 0 : i32
    %c0_i32_0 = arith.constant 0 : i32
    %c0_i32_1 = arith.constant 0 : i32
    return %c0_i32, %c0_i32_0 : i32, i32
  }
  func.func @transform_6(%arg0: i32) -> (i32, i32) {
    %c0_i32 = arith.constant 0 : i32
    %c0_i32_0 = arith.constant 0 : i32
    %c0_i32_1 = arith.constant 0 : i32
    return %c0_i32, %c0_i32_0 : i32, i32
  }
  func.func @transform_7(%arg0: i32) -> (i32, i32) {
    %c0_i32 = arith.constant 0 : i32
    %c0_i32_0 = arith.constant 0 : i32
    return %arg0, %c0_i32 : i32, i32
  }
}

</mosaic_0001>

<sc_bundles>
// kernel: kernel.7.cloned.1.call-start
scs
__scs_entry_jumppad:
0x0: {  	(pc) =	sbr.rel $0x88, $3  }
0x1: {  	(tag) =	ssettag $0x0;
	lr =	simm.s32 $0x1  }
0x2: {  	[smem:$0x3F91] =	sst lr;
	_ =	strace $0xD0000000  }
0x3: {  	_ = 	snop  }
0x4: {  	_ = 	snop  }
0x5: {  	_ = 	snop  }
0x6: {  	_ = 	snop  }
0x7: {  	_ = 	snop  }
__scs_overlays_trampoline_lowered:
0x8: {  	[smem:$0x3FA0] =	sst s0  }
0x9: {  	[smem:$0x3FA1] =	sst s1  }
0xa: {  	[smem:$0x3FA2] =	sst s2  }
0xb: {  	[smem:$0x3FA3] =	sst s3  }
0xc: {  	[smem:$0x3FA4] =	sst s4  }
0xd: {  	[smem:$0x3FA5] =	sst s5  }
0xe: {  	[smem:$0x3FA6] =	sst s6  }
0xf: {  	[smem:$0x3FA7] =	sst s7  }
0x10: {  	[smem:$0x3FA8] =	sst s8  }
0x11: {  	[smem:$0x3FA9] =	sst s9;
	s0 =	simm.s32 @!p0 $0x0  }
0x12: {  	s1 =	sld [smem:$0x3F8F];
	s0 =	simm.s32 @p0 $0x1  }
0x13: {  	[smem:$0x3FAA] =	sst s0;
	s0 =	simm.s32 @!p1 $0x0  }
0x14: {  	s2 =	sld [smem:$0x3F8E];
	s0 =	simm.s32 @p1 $0x1  }
0x15: {  	[smem:$0x3FAB] =	sst s0;
	s0 =	simm.s32 @!p2 $0x0  }
0x16: {  	s3 =	sld [smem:$0x3FDB];
	s0 =	simm.s32 @p2 $0x1  }
0x17: {  	s4 =	simm.s32 $0x1BF5;
	[smem:$0x3FAD] =	sst s0  }
0x18: {  	s0 =	sld [smem:$0x3F90];
	_ =	swait.ge [sflag:s4], $0x0  }
0x19: {  	s7 =	sld [smem:$0x3F91]  }
0x1a: {  	s8 =	sadd.s32 $0xFFFFE003, lr  }
0x1b: {  	s9 =	sadd.s32 $0xFFFFFEF7, lr;
	s5 =	simm.s32 $0xFFFFFFFF;
	p2 =	slt.u32 s8, $0xFFFFF086  }
0x1c: {  	p1 =	slt.u32 s9, $0xF7A;
	s5 =	simm.s32 @!p2 $0x0  }
0x1d: {  	s5 =	simm.s32 @p1 $0x1;
	p0 =	seq.s32 s7, s2  }
0x1e: {  	s7 =	smul.u32 @!p0 $0xF7A, s2;
	p2 =	seq.s32 @!p0 s5, $0x0  }
0x1f: {  	s9 =	smul.u32 $0xF7A, s1;
	s8 =	simm.s32 @!p0 $0x1BF5;
	p2 =	por !p2, p0  }
0x20: {  	[sflag:s8] =	ssyncset.s32 @!p0 $0xFFFFF086;
	s6 =	sadd.s32 @!p0 s3, s7;
	s7 =	simm.s32 @!p0 $0x108  }
0x21: {  	s3 =	sadd.s32 s3, s9;
	s6 =	sadd.s32 @!p0 $0x88, s6;
	s7 =	simm.s32 @p2 $0x1082  }
0x22: {  	[simem:s7], [sflag:s8] =	dma.local @!p0 [hbm:s6], $0xF7A  }
0x23: {  	s9 =	sor.u32 $0xD0000000, s2;
	s6 =	simm.s32 $0x108;
	_ =	swait.ge @!p0 [sflag:s8], $0x0  }
0x24: {  	s3 =	sadd.s32 $0x88, s3;
	s6 =	simm.s32 @!p1 $0x1082;
	[sflag:s4] =	ssyncset.s32 $0xFFFFF086  }
0x25: {  	[simem:s6], [sflag:s4] =	dma.local [hbm:s3], $0xF7A  }
0x26: {  	[smem:$0x3F91] =	sst s1;
	(tag) =	ssettag s2;
	_ =	strace s9  }
0x27: {  	s1 =	sld [smem:$0x3FA1]  }
0x28: {  	s2 =	sld [smem:$0x3FA2]  }
0x29: {  	s4 =	sld [smem:$0x3FA4]  }
0x2a: {  	p0 =	seq.s32 s5, $0x0;
	s5 =	sld [smem:$0x3FA5]  }
0x2b: {  	s6 =	sld [smem:$0x3FA6]  }
0x2c: {  	s7 =	sld [smem:$0x3FA7]  }
0x2d: {  	s3 =	simm.s32 $0x108;
	s8 =	sld [smem:$0x3FA8]  }
0x2e: {  	s3 =	simm.s32 @!p0 $0x1082;
	s9 =	sld [smem:$0x3FA9]  }
0x2f: {  	lr =	sadd.s32 s0, s3;
	s0 =	sld [smem:$0x3FA0]  }
0x30: {  	s3 =	sld [smem:$0x3FA3]  }
0x31: {  	[smem:$0x3FAC] =	sst s10  }
0x32: {  	s10 =	sld [smem:$0x3FAA];
	_ =	sdelay $0x3  }
0x33: {  	p0 =	seq.s32 s10, $0x1;
	s10 =	sld [smem:$0x3FAC];
	_ =	sdelay $0x3  }
0x34: {  	[smem:$0x3FAC] =	sst s10  }
0x35: {  	s10 =	sld [smem:$0x3FAB];
	_ =	sdelay $0x3  }
0x36: {  	p1 =	seq.s32 s10, $0x1;
	s10 =	sld [smem:$0x3FAC];
	_ =	sdelay $0x3  }
0x37: {  	[smem:$0x3FAC] =	sst s10  }
0x38: {  	s10 =	sld [smem:$0x3FAD]  }
0x39: {  	_ = 	snop;
	(pc) =	sbr.ind lr, $3  }
0x3a: {  	_ = 	snop  }
0x3b: {  	_ = 	snop  }
0x3c: {  	p2 =	seq.s32 s10, $0x1;
	s10 =	sld [smem:$0x3FAC]  }
0x3d: {  	_ =	shalt  }
0x3e: {  	_ =	shalt  }
0x3f: {  	_ =	shalt  }
0x40: {  	_ =	shalt  }
0x41: {  	_ =	shalt  }
0x42: {  	_ =	shalt  }
0x43: {  	_ =	shalt  }
0x44: {  	_ =	shalt  }
0x45: {  	_ =	shalt  }
0x46: {  	_ =	shalt  }
0x47: {  	_ =	shalt  }
0x48: {  	_ =	shalt  }
0x49: {  	_ =	shalt  }
0x4a: {  	_ =	shalt  }
0x4b: {  	_ =	shalt  }
0x4c: {  	_ =	shalt  }
0x4d: {  	_ =	shalt  }
0x4e: {  	_ =	shalt  }
0x4f: {  	_ =	shalt  }
0x50: {  	_ =	shalt  }
0x51: {  	_ =	shalt  }
0x52: {  	_ =	shalt  }
0x53: {  	_ =	shalt  }
0x54: {  	_ =	shalt  }
0x55: {  	_ =	shalt  }
0x56: {  	_ =	shalt  }
0x57: {  	_ =	shalt  }
0x58: {  	_ =	shalt  }
0x59: {  	_ =	shalt  }
0x5a: {  	_ =	shalt  }
0x5b: {  	_ =	shalt  }
0x5c: {  	_ =	shalt  }
0x5d: {  	_ =	shalt  }
0x5e: {  	_ =	shalt  }
0x5f: {  	_ =	shalt  }
0x60: {  	_ =	shalt  }
0x61: {  	_ =	shalt  }
0x62: {  	_ =	shalt  }
0x63: {  	_ =	shalt  }
0x64: {  	_ =	shalt  }
0x65: {  	_ =	shalt  }
0x66: {  	_ =	shalt  }
0x67: {  	_ =	shalt  }
0x68: {  	_ =	shalt  }
0x69: {  	_ =	shalt  }
0x6a: {  	_ =	shalt  }
0x6b: {  	_ =	shalt  }
0x6c: {  	_ =	shalt  }
0x6d: {  	_ =	shalt  }
0x6e: {  	_ =	shalt  }
0x6f: {  	_ =	shalt  }
0x70: {  	_ =	shalt  }
0x71: {  	_ =	shalt  }
0x72: {  	_ =	shalt  }
0x73: {  	_ =	shalt  }
0x74: {  	_ =	shalt  }
0x75: {  	_ =	shalt  }
0x76: {  	_ =	shalt  }
0x77: {  	_ =	shalt  }
0x78: {  	_ =	shalt  }
0x79: {  	_ =	shalt  }
0x7a: {  	_ =	shalt  }
0x7b: {  	_ =	shalt  }
0x7c: {  	_ =	shalt  }
0x7d: {  	_ =	shalt  }
0x7e: {  	_ =	shalt  }
0x7f: {  	_ =	shalt  }
0x80: {  	_ =	shalt  }
0x81: {  	_ =	shalt  }
0x82: {  	_ =	shalt  }
0x83: {  	_ =	shalt  }
0x84: {  	_ =	shalt  }
0x85: {  	_ =	shalt  }
0x86: {  	_ =	shalt  }
0x87: {  	_ =	shalt  }
.Lfunc_end0:
.L_simem_size_0:
called_computation_lowered:
.L_overlay_start_0:
0x88: {  	s2 =	sld [smem:$0x3FD9]  }
0x89: {  	s3 =	sld [smem:$0x3FFE];
	_ =	sdelay $0x1  }
0x8a: {  	s1 =	srdreg.scid  }
0x8b: {  	s0 =	sand.u32 $0x1, s1  }
0x8c: {  	s17 =	sshll.u32 s0, $0xA;
	s2 =	sadd.s32 s3, s2  }
0x8d: {  	s2 =	sadd.s32 s2, s17  }
0x8e: {  	[smem:$0x3FB8] =	sst s2  }
0x8f: {  	_ = 	snop  }
0x90: {  	s2 =	sld [smem:$0x3FC7];
	(tm) =	ssettm $0x1  }
0x91: {  	s18 =	sld [smem:$0x3FFB];
	_ =	sdelay $0x3  }
0x92: {  	_ =	strace s18  }
0x93: {  	s3 =	sld [smem:$0x3FFC];
	_ =	sdelay $0x3  }
0x94: {  	_ =	strace s3  }
0x95: {  	s3 =	sld [smem:$0x3FFD];
	_ =	sdelay $0x3  }
0x96: {  	_ =	strace s3  }
0x97: {  	_ =	strace $0x8FFFFFFF  }
0x98: {  	s19 =	sld [smem:$0x3FDB];
	_ =	sdelay $0x1  }
0x99: {  	s4 =	simm.s32 $_scs_section_size  }
0x9a: {  	s5 =	simm.s32 $_size__tile_overlayer_lowered;
	s6 =	simm.s32 $_tile_overlayer_lowered  }
0x9b: {  	s22 =	simm.s32 $0x1BFF;
	s21 =	sshll.u32 s6, $0x1;
	s3 =	sadd.s32 s4, s19  }
0x9c: {  	s7 =	simm.s32 $0x0;
	s20 =	sshll.u32 s5, $0x1;
	s5 =	sadd.s32 s21, s3  }
0x9d: {  	[timem:s7], [sflag:s22] =	dma.local [hbm:s5], s20  }
0x9e: {  	_ =	swait.ge [sflag:s22], s20  }
0x9f: {  	s4 =	ssub.s32 $0x0, s20;
	[sflag:s22] =	ssyncset.done $0x0  }
0xa0: {  	[sflag:s22] =	ssyncadd.s32 s4;
	_ =	sdelay $0x1  }
0xa1: {  	s23 =	simm.s32 $0x1B8B  }
0xa2: {  	_ =	swait.ge [sflag:s23], $0x1  }
0xa3: {  	[sflag:s23] =	ssyncset.done $0x0  }
0xa4: {  	s25 =	simm.s32 $0x1B8E;
	s24 =	sld [smem:$0x3FFE];
	[sflag:s23] =	ssyncadd.s32 $0xFFFFFFFF  }
0xa5: {  	s26 =	simm.s32 $execute0_lowered;
	[smem:$0x3FD2] =	sst s25  }
0xa6: {  	s5 =	sshll.u32 s26, $0x1;
	_ =	strace $0x80000046;
	[dreg:$0x1] =	wrdreg $0xFFFFFFFF  }
0xa7: {  	s28 =	simm.s32 $_size_execute0_lowered;
	s3 =	sadd.s32 s3, s5;
	[dreg:$0x0] =	wrdreg $0x0  }
0xa8: {  	s5 =	sshll.u32 s28, $0x1;
	[dreg:$0x2] =	wrdreg s3  }
0xa9: {  	[dreg:$0x3] =	wrdreg s5  }
0xaa: {  	[dreg:$0x4] =	wrdreg $0xC0  }
0xab: {  	_ =	task [dreg:s7], $0x5FFFF  }
0xac: {  	[dreg:$0x1] =	wrdreg $0xFFFFFFFF  }
0xad: {  	[dreg:$0x0] =	wrdreg $0x60  }
0xae: {  	[dreg:$0x2] =	wrdreg s24  }
0xaf: {  	[dreg:$0x3] =	wrdreg s2  }
0xb0: {  	[dreg:$0x4] =	wrdreg $0x9  }
0xb1: {  	_ =	task.clear_ibuf [dreg:s7], $0x5FFFF;
	_ =	strace $0x90000046  }
0xb2: {  	s29 =	simm.s32 $0x9;
	_ =	strace $0x80000048  }
0xb3: {  	_ =	swait.ge [sflag:s29], $0x1  }
0xb4: {  	[sflag:s29] =	ssyncadd.s32 $0xFFFFFFFF  }
0xb5: {  	_ =	strace $0x90000048  }
0xb6: {  	_ =	sfence  }
0xb7: {  	s30 =	sld [smem:$0x0];
	_ =	sdelay $0x2  }
0xb8: {  	s31 =	sshll.u32 s1, $0xD;
	s1 =	sshrl.u32 s1, $0x2  }
0xb9: {  	s3 =	sand.u32 $0x4000, s31;
	s1 =	sadd.s32 s1, s30  }
0xba: {  	s0 =	sor.u32 s3, s0;
	s1 =	sshll.u32 s1, $0x11  }
0xbb: {  	s0 =	sor.u32 s1, s0  }
0xbc: {  	s0 =	sadd.s32 $0x8F2B, s0  }
0xbd: {  	[sflag:s0] =	ssyncadd.remote.s32 $0x1  }
0xbe: {  	_ =	sfence.sel $0xFFFF  }
0xbf: {  	[dreg:$0x0] =	wrdreg $0xFFFFFFFF;
	(pc) =	sbr.abs _section_cstart, $3  }
0xc0: {  	[dreg:$0x1] =	wrdreg $0xFFFFFFFF  }
0xc1: {  	_ =	task.clear_ibuf [dreg:s7], $0x2FFFF;
	_ =	strace $0x9FFFFFFF  }
0xc2: {  	(tm) =	ssettm $0x7FFFFFFF  }
0xc3: {  	_ =	shalt  }
tec
execute0_lowered:
.L_overlay_start_1:
0x0: {  	(tag) =	ssettag $0x1  }
0x1: {  	s4 =	rddreg [dreg:$0x0]  }
0x2: {  	s5 =	rddreg [dreg:$0x1];
	s1 =	stileid.u32  }
0x3: {  	s2 =	srdreg.scid;
	s10 =	simm.s32 $0x4F80;
	s11 =	simm.s32 $0xA0  }
0x4: {  	s12 =	simm.s32 $0x7780;
	s13 =	simm.s32 $0xF0;
	s14 =	simm.s32 $0x9F80  }
0x5: {  	s15 =	simm.s32 $0x140;
	s16 =	simm.s32 $0xC780;
	s17 =	simm.s32 $0x1  }
0x6: {  	s18 =	simm.s32 $0x2;
	s19 =	simm.s32 $0x3;
	s20 =	simm.s32 $0x4  }
0x7: {  	s21 =	simm.s32 $0x5;
	s22 =	simm.s32 $0x6;
	s23 =	simm.s32 $0x7  }
0x8: {  	s24 =	simm.s32 $0x8;
	s25 =	simm.s32 $0x9;
	s26 =	simm.s32 $0xA  }
0x9: {  	s3 =	sand.u32 $0x1, s2;
	s6 =	sshll.u32 s1, $0x1;
	s7 =	smul.u32 $0x4E200, s1  }
0xa: {  	s2 =	simm.s32 $0x0;
	s6 =	sor.u32 s3, s6;
	s9 =	smul.u32 $0x27100, s3  }
0xb: {  	s28 =	simm.s32 $0x0;
	[smem:$0x7FF] =	sst s2;
	s6 =	smul.u32 $0x2710, s6  }
.Ltmp0:
0xc: {  	s8 =	ssub.s32 $0x2, s3;
	s3 =	sadd.s32 $0x4000, s4;
	(pc) =	sbr.rel .LBB2_1-.Ltmp0, $4  }
0xd: {  	_ =	strace $0x80000047;
	s4 =	sadd.s32 s7, s4;
	s30 =	sshrl.u32 s8, $0x1  }
0xe: {  	s7 =	ssub.s32 s8, s30;
	s31 =	sadd.s32 s9, s4;
	s6 =	sshrl.u32 s6, $0x3  }
0xf: {  	s8 =	simm.s32 $0x50;
	s9 =	simm.s32 $0x2780;
	s4 =	sadd.s32 s5, s6  }
0x10: {  	s5 =	smax.u32 s7, $0x1;
	s6 =	sadd.s32 $0x54400, s31;
	s7 =	simm.s32 $0xB  }
.LBB2_4:
0x11: {  	_ =	swait.ge [sflag:s23], $0x2800  }
0x12: {  	[sflag:s23] =	ssyncset.done $0x0  }
0x13: {  	[sflag:s23] =	ssyncadd.s32 $0xFFFFD800  }
0x14: {  	_ =	swait.ge [sflag:s24], $0x2800  }
0x15: {  	[sflag:s24] =	ssyncset.done $0x0  }
0x16: {  	s28 =	sadd.s32 $0x1, s28;
	[sflag:s24] =	ssyncadd.s32 $0xFFFFD800  }
0x17: {  	p0 =	sne.s32 s28, s5;
	_ =	swait.ge [sflag:s25], $0x2800  }
.Ltmp1:
0x18: {  	[sflag:s25] =	ssyncset.done $0x0;
	(pc) =	sbr.rel @!p0 .LBB2_5-.Ltmp1, $4  }
0x19: {  	[sflag:s25] =	ssyncadd.s32 $0xFFFFD800  }
0x1a: {  	_ =	swait.ge [sflag:s26], $0x2800  }
0x1b: {  	[sflag:s26] =	ssyncset.done $0x0  }
0x1c: {  	[sflag:s26] =	ssyncadd.s32 $0xFFFFD800  }
.LBB2_1:
0x1d: {  	[tilespmem:s2], [sflag:$0xB] =	stream.linear.gather [hbm4b:s4+s2], $0x2710, $0x38;
	[tilespmem:$0xEF80] =	vst v63  }
0x1e: {  	_ =	swait.ge [sflag:s7], $0x2710  }
0x1f: {  	[sflag:s7] =	ssyncset.done $0x0  }
0x20: {  	[sflag:s7] =	ssyncadd.s32 $0xFFFFD8F0  }
0x21: {  	[tilespmem:s9], [sflag:$0x1] =	stream.indirect.gather [hbm4b:s3+s8], $0x80, s2, s8, $0xb8;
	[tilespmem:$0xEF80] =	vst v63  }
0x22: {  	_ = 	snop  }
0x23: {  	[tilespmem:s10], [sflag:$0x2] =	stream.indirect.gather [hbm4b:s3+s8], $0x80, s8, s8, $0xb8;
	[tilespmem:$0xEF80] =	vst v63  }
0x24: {  	_ = 	snop  }
0x25: {  	[tilespmem:s12], [sflag:$0x3] =	stream.indirect.gather [hbm4b:s3+s8], $0x80, s11, s8, $0xb8;
	[tilespmem:$0xEF80] =	vst v63  }
0x26: {  	_ = 	snop  }
0x27: {  	[tilespmem:s14], [sflag:$0x4] =	stream.indirect.gather [hbm4b:s3+s8], $0x80, s13, s8, $0xb8;
	[tilespmem:$0xEF80] =	vst v63  }
0x28: {  	s29 =	smov.u32 s6;
	s30 =	simm.s32 $0x0  }
0x29: {  	[tilespmem:s16], [sflag:$0x5] =	stream.indirect.gather [hbm4b:s3+s8], $0x80, s15, s8, $0xb8;
	[tilespmem:$0xEF80] =	vst v63  }
.LBB2_2:
0x2a: {  	_ =	swait.ge [sflag:s17], $0x2800  }
0x2b: {  	[sflag:s17] =	ssyncset.done $0x0  }
0x2c: {  	s31 =	sadd.s32 $0xFFFFEC00, s29;
	[sflag:s17] =	ssyncadd.s32 $0xFFFFD800  }
0x2d: {  	[hbm4b:s31+s2] =	stream.linear.scatter [tilespmem:s9], [sflag:$0x6], $0x2800, $0x38;
	[tilespmem:$0xEF80] =	vst v63  }
0x2e: {  	_ =	swait.ge [sflag:s18], $0x2800  }
0x2f: {  	[sflag:s18] =	ssyncset.done $0x0  }
0x30: {  	s0 =	sadd.s32 $0xFFFFF100, s29;
	[sflag:s18] =	ssyncadd.s32 $0xFFFFD800  }
0x31: {  	[hbm4b:s0+s2] =	stream.linear.scatter [tilespmem:s10], [sflag:$0x7], $0x2800, $0x38;
	[tilespmem:$0xEF80] =	vst v63  }
0x32: {  	_ =	swait.ge [sflag:s19], $0x2800  }
0x33: {  	[sflag:s19] =	ssyncset.done $0x0  }
0x34: {  	s0 =	sadd.s32 $0xFFFFF600, s29;
	[sflag:s19] =	ssyncadd.s32 $0xFFFFD800  }
0x35: {  	[hbm4b:s0+s2] =	stream.linear.scatter [tilespmem:s12], [sflag:$0x8], $0x2800, $0x38;
	[tilespmem:$0xEF80] =	vst v63  }
0x36: {  	_ =	swait.ge [sflag:s20], $0x2800  }
0x37: {  	[sflag:s20] =	ssyncset.done $0x0  }
0x38: {  	s0 =	sadd.s32 $0xFFFFFB00, s29;
	[sflag:s20] =	ssyncadd.s32 $0xFFFFD800  }
0x39: {  	[hbm4b:s0+s2] =	stream.linear.scatter [tilespmem:s14], [sflag:$0x9], $0x2800, $0x38;
	[tilespmem:$0xEF80] =	vst v63  }
0x3a: {  	_ =	swait.ge [sflag:s21], $0x2800  }
0x3b: {  	p0 =	seq.s32 s30, $0x9600;
	[sflag:s21] =	ssyncset.done $0x0  }
.Ltmp2:
0x3c: {  	[sflag:s21] =	ssyncadd.s32 $0xFFFFD800;
	(pc) =	sbr.rel @p0 .LBB2_4-.Ltmp2, $4  }
0x3d: {  	[hbm4b:s29+s2] =	stream.linear.scatter [tilespmem:s16], [sflag:$0xA], $0x2800, $0x38;
	[tilespmem:$0xEF80] =	vst v63  }
0x3e: {  	_ =	swait.ge [sflag:s22], $0x2800  }
0x3f: {  	[sflag:s22] =	ssyncset.done $0x0  }
0x40: {  	[sflag:s22] =	ssyncadd.s32 $0xFFFFD800  }
0x41: {  	s31 =	sshra.s32 s30, $0x2  }
0x42: {  	s0 =	sadd.s32 $0x190, s31  }
0x43: {  	[tilespmem:s9], [sflag:$0x1] =	stream.indirect.gather [hbm4b:s3+s8], $0x80, s0, s8, $0xb8;
	[tilespmem:$0xEF80] =	vst v63  }
0x44: {  	_ =	swait.ge [sflag:s23], $0x2800  }
0x45: {  	[sflag:s23] =	ssyncset.done $0x0  }
0x46: {  	s0 =	sadd.s32 $0x1E0, s31;
	[sflag:s23] =	ssyncadd.s32 $0xFFFFD800  }
0x47: {  	[tilespmem:s10], [sflag:$0x2] =	stream.indirect.gather [hbm4b:s3+s8], $0x80, s0, s8, $0xb8;
	[tilespmem:$0xEF80] =	vst v63  }
0x48: {  	_ =	swait.ge [sflag:s24], $0x2800  }
0x49: {  	[sflag:s24] =	ssyncset.done $0x0  }
0x4a: {  	s0 =	sadd.s32 $0x230, s31;
	[sflag:s24] =	ssyncadd.s32 $0xFFFFD800  }
0x4b: {  	[tilespmem:s12], [sflag:$0x3] =	stream.indirect.gather [hbm4b:s3+s8], $0x80, s0, s8, $0xb8;
	[tilespmem:$0xEF80] =	vst v63  }
0x4c: {  	_ =	swait.ge [sflag:s25], $0x2800  }
0x4d: {  	[sflag:s25] =	ssyncset.done $0x0  }
0x4e: {  	s0 =	sadd.s32 $0x280, s31;
	[sflag:s25] =	ssyncadd.s32 $0xFFFFD800  }
0x4f: {  	[tilespmem:s14], [sflag:$0x4] =	stream.indirect.gather [hbm4b:s3+s8], $0x80, s0, s8, $0xb8;
	[tilespmem:$0xEF80] =	vst v63  }
.Ltmp3:
0x50: {  	_ = 	snop;
	(pc) =	sbr.rel .LBB2_2-.Ltmp3, $4  }
0x51: {  	_ =	swait.ge [sflag:s26], $0x2800  }
0x52: {  	s30 =	sadd.s32 $0x640, s30;
	[sflag:s26] =	ssyncset.done $0x0  }
0x53: {  	s29 =	sadd.s32 $0x1900, s29;
	s31 =	sadd.s32 $0x2D0, s31;
	[sflag:s26] =	ssyncadd.s32 $0xFFFFD800  }
0x54: {  	[tilespmem:s16], [sflag:$0x5] =	stream.indirect.gather [hbm4b:s3+s8], $0x80, s31, s8, $0xb8;
	[tilespmem:$0xEF80] =	vst v63  }
.LBB2_5:
0x55: {  	_ =	sfence.sel $0x180000  }
0x56: {  	[bflag:$0x0] =	sbarrier.arrive $0xFFFF  }
0x57: {  	_ =	strace $0x90000047  }
0x58: {  	[bflag:$0x2] =	sbarrier.arrive $0xFFFF  }
0x59: {  	p0 =	sne.s32 s1, $0x0;
	s0 =	rddreg [dreg:$0x2]  }
0x5a: {  	s0 =	sadd.s32 @!p0 $0x100000, s0  }
0x5b: {  	[sflag:s0] =	ssyncadd.tile.s32 @!p0 $0x1;
	_ =	shalt  }
.Lfunc_end2:
_tile_overlayer_lowered:
.L_overlay_start_2:
0x5c: {  	(tag) =	ssettag $0x2  }
0x5d: {  	s0 =	rddreg [dreg:$0x0];
	s2 =	stileid.u32  }
0x5e: {  	s1 =	rddreg [dreg:$0x1];
	p0 =	sne.s32 s2, $0x0  }
0x5f: {  	s3 =	rddreg [dreg:$0x2];
	[bflag:$0x3] =	sbarrier.arrive $0xFFFF;
	s2 =	simm.s32 @!p0 $0x1C0B  }
0x60: {  	[timem:s3], [sflag:s2] =	dma.local @!p0 [hbm:s0], s1  }
0x61: {  	s0 =	simm.s32 @!p0 $0xB  }
0x62: {  	_ =	swait.ge @!p0 [sflag:s0], s1  }
0x63: {  	s1 =	ssub.s32 @!p0 $0x0, s1;
	[sflag:s0] =	ssyncset.done @!p0 $0x0  }
0x64: {  	[sflag:s0] =	ssyncadd.s32 @!p0 s1  }
0x65: {  	[bflag:$0x3] =	sbarrier.arrive $0xFFFF  }
0x66: {  	_ =	shalt  }

</sc_bundles>
